<compile_context>
chip_gen: v7x
topology: tpu7x:2x2x1
jax: 0.10.2.dev20260603
libtpu: 0.0.44.dev20260713+nightly
codegen_flags: <defaults>
</compile_context>

<pallas_src>
import functools

import jax
import jax.numpy as jnp
from jax import lax
from jax.experimental import pallas as pl
from jax.experimental.pallas import tpu as pltpu
from jax.experimental.pallas import tpu_sc as plsc

N = 10000
D = 128
EPS = 1e-5

NC = 2
NS = 16
NW = NC * NS
NPAD = 10112
ROWS_PER_TILE = NPAD // NS
EB = 128
DEG_GROUP = 8


@functools.cache
def _sc_mesh():
    return plsc.VectorSubcoreMesh(
        core_axis_name="c", subcore_axis_name="s", num_cores=NC, num_subcores=NS
    )



def _deg_body(dst_hbm, ones_hbm, zeros_hbm, out_hbm, dstall, onesv, deg_sp, sem):
    c = lax.axis_index("c")
    s = lax.axis_index("s")
    wid = s * NC + c
    nchunks = dst_hbm.shape[1]
    pltpu.sync_copy(zeros_hbm, deg_sp.at[pl.ds(s * ROWS_PER_TILE, ROWS_PER_TILE)])
    pltpu.sync_copy(ones_hbm, onesv)
    pltpu.sync_copy(dst_hbm.at[wid], dstall)
    plsc.subcore_barrier()

    def group(k, carry):
        base = k * DEG_GROUP
        fired = [
            pltpu.async_copy(onesv, deg_sp.at[dstall.at[base + b]], sem, add=True)
            for b in range(DEG_GROUP)
        ]
        for d in fired:
            d.wait()
        return carry

    lax.fori_loop(0, nchunks // DEG_GROUP, group, 0)
    plsc.subcore_barrier()
    pltpu.sync_copy(
        deg_sp.at[pl.ds(s * ROWS_PER_TILE, ROWS_PER_TILE)],
        out_hbm.at[c, pl.ds(s * ROWS_PER_TILE, ROWS_PER_TILE)],
    )


DEG_W = D


def _sc_degree(dst3, ones, zeros):
    nchunks = dst3.shape[1]
    return pl.kernel(
        _deg_body,
        out_type=jax.ShapeDtypeStruct((NC, NPAD, DEG_W), jnp.float32),
        mesh=_sc_mesh(),
        scratch_types=[
            pltpu.VMEM((nchunks, EB), jnp.int32),
            pltpu.VMEM((EB, DEG_W), jnp.float32),
            pltpu.VMEM_SHARED((NPAD, DEG_W), jnp.float32),
            pltpu.SemaphoreType.DMA,
        ],
    )(dst3, ones, zeros)


def _agg_body(src_hbm, dst_hbm, hs_hbm, zeros_hbm, out_hbm,
              src0, src1, dst0, dst1, rows0, rows1, agg_sp,
              semg0, semg1, semi0, semi1):
    c = lax.axis_index("c")
    s = lax.axis_index("s")
    nchunks = src_hbm.shape[1]

    @pl.when(c == 0)
    def _():
        pltpu.sync_copy(zeros_hbm, agg_sp.at[pl.ds(s * ROWS_PER_TILE, ROWS_PER_TILE)])
        pltpu.sync_copy(src_hbm.at[s, 0], src0)
        pltpu.sync_copy(dst_hbm.at[s, 0], dst0)
        pltpu.async_copy(src_hbm.at[s, 1], src1, semi1)
        pltpu.async_copy(dst_hbm.at[s, 1], dst1, semi1)
        plsc.subcore_barrier()

        dummy_rows = hs_hbm.at[pl.ds(0, EB)]
        dummy_idx = src_hbm.at[0, 0]
        pltpu.async_copy(hs_hbm.at[src0], rows0, semg0)

        def even_half(g, srcA, srcB, dstA, dstB, rowsA, rowsB,
                      semgA, semgB, semiA, semiB):
            pltpu.make_async_copy(dummy_rows, rowsA, semgA).wait()

            @pl.when(g + 1 < nchunks)
            def _():
                pltpu.make_async_copy(dummy_idx, srcB, semiB).wait()
                pltpu.make_async_copy(dummy_idx, dstB, semiB).wait()
                pltpu.async_copy(hs_hbm.at[srcB], rowsB, semgB)

            pltpu.sync_copy(rowsA, agg_sp.at[dstA], add=True)

            @pl.when(g + 2 < nchunks)
            def _():
                pltpu.async_copy(src_hbm.at[s, g + 2], srcA, semiA)
                pltpu.async_copy(dst_hbm.at[s, g + 2], dstA, semiA)

        def step(g, carry):
            @pl.when(g % 2 == 0)
            def _():
                even_half(g, src0, src1, dst0, dst1, rows0, rows1,
                          semg0, semg1, semi0, semi1)

            @pl.when(g % 2 == 1)
            def _():
                even_half(g, src1, src0, dst1, dst0, rows1, rows0,
                          semg1, semg0, semi1, semi0)

            return carry

        lax.fori_loop(0, nchunks, step, 0)
        plsc.subcore_barrier()
        pltpu.sync_copy(
            agg_sp.at[pl.ds(s * ROWS_PER_TILE, ROWS_PER_TILE)],
            out_hbm.at[pl.ds(s * ROWS_PER_TILE, ROWS_PER_TILE)],
        )


def _sc_aggregate(src2, dst2, hs, zeros):
    nchunks = src2.shape[1]
    return pl.kernel(
        _agg_body,
        out_type=jax.ShapeDtypeStruct((NPAD, D), jnp.float32),
        mesh=_sc_mesh(),
        scratch_types=[
            pltpu.VMEM((EB,), jnp.int32),
            pltpu.VMEM((EB,), jnp.int32),
            pltpu.VMEM((EB,), jnp.int32),
            pltpu.VMEM((EB,), jnp.int32),
            pltpu.VMEM((EB, D), jnp.float32),
            pltpu.VMEM((EB, D), jnp.float32),
            pltpu.VMEM_SHARED((NPAD, D), jnp.float32),
            pltpu.SemaphoreType.DMA,
            pltpu.SemaphoreType.DMA,
            pltpu.SemaphoreType.DMA,
            pltpu.SemaphoreType.DMA,
        ],
    )(src2, dst2, hs, zeros)



BN = 2000


def _mm_body(x_ref, w_ref, d0_ref, d1_ref, hs_ref):
    dinv = lax.rsqrt(d0_ref[...] + d1_ref[...] + 1.0)
    h = jnp.dot(x_ref[...], w_ref[...], preferred_element_type=jnp.float32)
    hs_ref[...] = h * dinv


def _tc_matmul_prescale(x, w, d0, d1):
    grid = (N // BN,)
    return pl.pallas_call(
        _mm_body,
        grid=grid,
        in_specs=[
            pl.BlockSpec((BN, D), lambda i: (i, 0)),
            pl.BlockSpec((D, D), lambda i: (0, 0)),
            pl.BlockSpec((BN, 1), lambda i: (i, 0)),
            pl.BlockSpec((BN, 1), lambda i: (i, 0)),
        ],
        out_specs=pl.BlockSpec((BN, D), lambda i: (i, 0)),
        out_shape=jax.ShapeDtypeStruct((N, D), jnp.float32),
    )(x, w, d0, d1)


def _ln(t, g, be):
    mu = jnp.mean(t, axis=1, keepdims=True)
    xc = t - mu
    var = jnp.mean(xc * xc, axis=1, keepdims=True)
    return xc * lax.rsqrt(var + EPS) * g + be


def _combine_mm_body(p0_ref, hs_ref, d0_ref, d1_ref, b_ref, g_ref,
                     be_ref, w_ref, out_ref):
    dinv = lax.rsqrt(d0_ref[...] + d1_ref[...] + 1.0)
    agg = (p0_ref[...] + hs_ref[...]) * dinv + b_ref[...]
    y = _ln(jnp.tanh(agg), g_ref[...], be_ref[...])
    out_ref[...] = jnp.dot(y, w_ref[...], preferred_element_type=jnp.float32) * dinv


def _combine_body(p0_ref, hs_ref, d0_ref, d1_ref, b_ref, g_ref,
                  be_ref, out_ref):
    dinv = lax.rsqrt(d0_ref[...] + d1_ref[...] + 1.0)
    agg = (p0_ref[...] + hs_ref[...]) * dinv + b_ref[...]
    out_ref[...] = _ln(jnp.tanh(agg), g_ref[...], be_ref[...])


def _tc_combine(p0, hs, d0, d1, b, g, be, w_next=None):
    grid = (N // BN,)
    row_spec = pl.BlockSpec((BN, D), lambda i: (i, 0))
    col_spec = pl.BlockSpec((BN, 1), lambda i: (i, 0))
    vec_spec = pl.BlockSpec((1, D), lambda i: (0, 0))
    in_specs = [row_spec, row_spec, col_spec, col_spec,
                vec_spec, vec_spec, vec_spec]
    args = [p0, hs, d0, d1, b, g, be]
    body = _combine_body
    if w_next is not None:
        in_specs.append(pl.BlockSpec((D, D), lambda i: (0, 0)))
        args.append(w_next)
        body = _combine_mm_body
    return pl.pallas_call(
        body,
        grid=grid,
        in_specs=in_specs,
        out_specs=row_spec,
        out_shape=jax.ShapeDtypeStruct((N, D), jnp.float32),
    )(*args)



def _pad_edges(src, dst, total):
    epad = total - src.shape[0]
    if epad:
        src = jnp.concatenate([src, jnp.zeros((epad,), jnp.int32)])
        trash = N + (jnp.arange(epad, dtype=jnp.int32) % (NPAD - N))
        dst = jnp.concatenate([dst, trash])
    return src, dst


def kernel(x, edge_index, W1, b1, g1, be1, W2, b2, g2, be2):
    E = edge_index.shape[1]
    src = edge_index[0]
    dst = edge_index[1]

    nchunks = -(-E // (NW * EB))
    nchunks = -(-nchunks // DEG_GROUP) * DEG_GROUP
    dsrc, ddst = _pad_edges(src, dst, NW * EB * nchunks)
    dst3e = ddst.reshape(NW, nchunks, EB)

    nagg = -(-E // (NS * EB))
    asrc, adst = _pad_edges(src, dst, NS * EB * nagg)
    src2 = asrc.reshape(NS, nagg, EB)
    dst2 = adst.reshape(NS, nagg, EB)

    onesW = jnp.ones((EB, DEG_W), jnp.float32)
    zerosW = jnp.zeros((ROWS_PER_TILE, DEG_W), jnp.float32)
    zerosD = jnp.zeros((ROWS_PER_TILE, D), jnp.float32)

    deg = _sc_degree(dst3e, onesW, zerosW)
    d0 = deg[0, :N, :1]
    d1 = deg[1, :N, :1]

    b1r, g1r, be1r = b1.reshape(1, D), g1.reshape(1, D), be1.reshape(1, D)
    b2r, g2r, be2r = b2.reshape(1, D), g2.reshape(1, D), be2.reshape(1, D)

    hs1 = _tc_matmul_prescale(x, W1, d0, d1)
    p1 = _sc_aggregate(src2, dst2, hs1, zerosD)
    hs2 = _tc_combine(p1[:N], hs1, d0, d1, b1r, g1r, be1r, W2)
    p2 = _sc_aggregate(src2, dst2, hs2, zerosD)
    out = _tc_combine(p2[:N], hs2, d0, d1, b2r, g2r, be2r)
    return out

# --- scband reference (transcript-rebuilt; emitter-appended) ---
"""Pipeline reference for scband-flexible-gnn-24867860644044 (READ-ONLY COPY).

The authoritative reference and input builder live on the scoring server;
editing this copy changes nothing except your own understanding.
"""

import jax, jax.numpy as jnp
import numpy as np

N = 10000
E = 320000
D = 128
EPS = 1e-5


def gcn_conv(x, src, dst, W, b):
    # PyG-style GCNConv: add self loops, symmetric normalization, scatter-add aggregation
    h = x @ W
    loop = jnp.arange(N, dtype=src.dtype)
    s = jnp.concatenate([src, loop])
    d = jnp.concatenate([dst, loop])
    deg = jnp.zeros((N,), dtype=x.dtype).at[d].add(1.0)
    deg_inv_sqrt = jnp.where(deg > 0, 1.0 / jnp.sqrt(deg), 0.0)
    norm = deg_inv_sqrt[s] * deg_inv_sqrt[d]
    msg = h[s] * norm[:, None]
    out = jnp.zeros((N, h.shape[1]), dtype=x.dtype).at[d].add(msg)
    return out + b


def layer_norm(x, g, be):
    mu = jnp.mean(x, axis=-1, keepdims=True)
    var = jnp.mean((x - mu) ** 2, axis=-1, keepdims=True)
    return (x - mu) / jnp.sqrt(var + EPS) * g + be


def setup_inputs(seed: int = 0):
    key = jax.random.key(seed)
    ks = jax.random.split(key, 4)
    x = jax.random.normal(ks[0], (N, D), dtype=jnp.float32)
    edge_index = jax.random.randint(ks[1], (2, E), 0, N, dtype=jnp.int32)
    s = 1.0 / np.sqrt(D)
    W1 = jax.random.normal(ks[2], (D, D), dtype=jnp.float32) * s
    b1 = jnp.zeros((D,), dtype=jnp.float32)
    g1 = jnp.ones((D,), dtype=jnp.float32)
    be1 = jnp.zeros((D,), dtype=jnp.float32)
    W2 = jax.random.normal(ks[3], (D, D), dtype=jnp.float32) * s
    b2 = jnp.zeros((D,), dtype=jnp.float32)
    g2 = jnp.ones((D,), dtype=jnp.float32)
    be2 = jnp.zeros((D,), dtype=jnp.float32)
    return {"x": x, "edge_index": edge_index, "W1": W1, "b1": b1, "g1": g1, "be1": be1, "W2": W2, "b2": b2, "g2": g2, "be2": be2}


def reference(x, edge_index, W1, b1, g1, be1, W2, b2, g2, be2):
    # eval mode: dropout (p=0.1) is identity
    src, dst = edge_index[0], edge_index[1]
    h = gcn_conv(x, src, dst, W1, b1)
    h = jnp.tanh(h)
    h = layer_norm(h, g1, be1)
    h = gcn_conv(h, src, dst, W2, b2)
    h = jnp.tanh(h)
    h = layer_norm(h, g2, be2)
    return h

if __name__ == "__main__":
    import jax
    _d = setup_inputs()
    print(jax.jit(kernel)(*tuple(_d.values())))

</pallas_src>

<mosaic_0001>
#map = affine_map<(d0, d1) -> (0, 0, 0)>
#map1 = affine_map<(d0, d1) -> (0, 0)>
module attributes {stable_mosaic.version = 14 : i64} {
  func.func @_deg_body(%arg0: i32, %arg1: i32, %arg2: memref<32x80x128xi32, #tpu.memory_space<hbm>>, %arg3: memref<128x128xf32, #tpu.memory_space<hbm>>, %arg4: memref<632x128xf32, #tpu.memory_space<hbm>>, %arg5: memref<2x10112x128xf32, #tpu.memory_space<hbm>>, %arg6: memref<80x128xi32, #tpu.memory_space<vmem>>, %arg7: memref<128x128xf32, #tpu.memory_space<vmem>>, %arg8: memref<10112x128xf32, #tpu.memory_space<vmem_shared>>, %arg9: memref<!tpu.dma_semaphore, #tpu.memory_space<semaphore_mem>>) attributes {dimension_semantics = [#tpu.dimension_semantics<core_parallel>, #tpu.dimension_semantics<subcore_parallel>], iteration_bounds = array<i64: 2, 16>, scalar_prefetch = 0 : i64, scratch_operands = 4 : i64, tpu.core_type = #tpu.core_type<sc_vector_subcore>, window_params = [{transform_indices = #map}, {transform_indices = #map1}, {transform_indices = #map1}, {transform_indices = #map}]} {
    %mul3A = arith.constant 2 : i32
    %mul3A_0 = arith.muli %arg1, %mul3A : i32
    %add3A = arith.addi %mul3A_0, %arg0 : i32
    %mul3A_1 = arith.constant 632 : i32
    %mul3A_2 = arith.muli %arg1, %mul3A_1 : i32
    "tpu.region"() ({
      %run_scoped3A = tpu.sem_alloc : memref<!tpu.dma_semaphore, #tpu.memory_space<semaphore_mem>>
      %dma_start3A = arith.constant 0 : i32
      %dma_start3A_13 = tpu.memref_slice %arg8[%mul3A_2, %dma_start3A] : memref<10112x128xf32, #tpu.memory_space<vmem_shared>> -> memref<632x128xf32, #tpu.memory_space<vmem_shared>>
      tpu.enqueue_dma source(%arg4 : memref<632x128xf32, #tpu.memory_space<hbm>>) target(%dma_start3A_13 : memref<632x128xf32, #tpu.memory_space<vmem_shared>>) target_semaphore(%run_scoped3A : memref<!tpu.dma_semaphore, #tpu.memory_space<semaphore_mem>>)
      %dma_wait3A = arith.constant 0 : i32
      %dma_wait3A_14 = tpu.memref_slice %arg8[%mul3A_2, %dma_wait3A] : memref<10112x128xf32, #tpu.memory_space<vmem_shared>> -> memref<632x128xf32, #tpu.memory_space<vmem_shared>>
      tpu.wait_dma2 semaphore(%run_scoped3A : memref<!tpu.dma_semaphore, #tpu.memory_space<semaphore_mem>>) src(%arg4 : memref<632x128xf32, #tpu.memory_space<hbm>>) dst(%dma_wait3A_14 : memref<632x128xf32, #tpu.memory_space<vmem_shared>>)
      tpu.yield
    }) : () -> ()
    "tpu.region"() ({
      %run_scoped3A = tpu.sem_alloc : memref<!tpu.dma_semaphore, #tpu.memory_space<semaphore_mem>>
      tpu.enqueue_dma source(%arg3 : memref<128x128xf32, #tpu.memory_space<hbm>>) target(%arg7 : memref<128x128xf32, #tpu.memory_space<vmem>>) target_semaphore(%run_scoped3A : memref<!tpu.dma_semaphore, #tpu.memory_space<semaphore_mem>>)
      tpu.wait_dma2 semaphore(%run_scoped3A : memref<!tpu.dma_semaphore, #tpu.memory_space<semaphore_mem>>) src(%arg3 : memref<128x128xf32, #tpu.memory_space<hbm>>) dst(%arg7 : memref<128x128xf32, #tpu.memory_space<vmem>>)
      tpu.yield
    }) : () -> ()
    "tpu.region"() ({
      %run_scoped3A = tpu.sem_alloc : memref<!tpu.dma_semaphore, #tpu.memory_space<semaphore_mem>>
      %dma_start3A = arith.constant 0 : i32
      %dma_start3A_13 = arith.constant 0 : i32
      %dma_start3A_14 = tpu.memref_slice %arg2[%add3A, %dma_start3A, %dma_start3A_13] : memref<32x80x128xi32, #tpu.memory_space<hbm>> -> memref<1x80x128xi32, #tpu.memory_space<hbm>>
      %dma_start3A_15 = tpu.memref_squeeze %dma_start3A_14 : memref<1x80x128xi32, #tpu.memory_space<hbm>> -> memref<80x128xi32, #tpu.memory_space<hbm>>
      %dma_start3A_16 = arith.constant 0 : i32
      %dma_start3A_17 = arith.constant 0 : i32
      %dma_start3A_18 = tpu.memref_slice %arg2[%add3A, %dma_start3A_16, %dma_start3A_17] : memref<32x80x128xi32, #tpu.memory_space<hbm>> -> memref<1x80x128xi32, #tpu.memory_space<hbm>>
      %dma_start3A_19 = tpu.memref_squeeze %dma_start3A_18 : memref<1x80x128xi32, #tpu.memory_space<hbm>> -> memref<80x128xi32, #tpu.memory_space<hbm>>
      tpu.enqueue_dma source(%dma_start3A_19 : memref<80x128xi32, #tpu.memory_space<hbm>>) target(%arg6 : memref<80x128xi32, #tpu.memory_space<vmem>>) target_semaphore(%run_scoped3A : memref<!tpu.dma_semaphore, #tpu.memory_space<semaphore_mem>>)
      %dma_wait3A = arith.constant 0 : i32
      %dma_wait3A_20 = arith.constant 0 : i32
      %dma_wait3A_21 = tpu.memref_slice %arg2[%add3A, %dma_wait3A, %dma_wait3A_20] : memref<32x80x128xi32, #tpu.memory_space<hbm>> -> memref<1x80x128xi32, #tpu.memory_space<hbm>>
      %dma_wait3A_22 = tpu.memref_squeeze %dma_wait3A_21 : memref<1x80x128xi32, #tpu.memory_space<hbm>> -> memref<80x128xi32, #tpu.memory_space<hbm>>
      %dma_wait3A_23 = arith.constant 0 : i32
      %dma_wait3A_24 = arith.constant 0 : i32
      %dma_wait3A_25 = tpu.memref_slice %arg2[%add3A, %dma_wait3A_23, %dma_wait3A_24] : memref<32x80x128xi32, #tpu.memory_space<hbm>> -> memref<1x80x128xi32, #tpu.memory_space<hbm>>
      %dma_wait3A_26 = tpu.memref_squeeze %dma_wait3A_25 : memref<1x80x128xi32, #tpu.memory_space<hbm>> -> memref<80x128xi32, #tpu.memory_space<hbm>>
      tpu.wait_dma2 semaphore(%run_scoped3A : memref<!tpu.dma_semaphore, #tpu.memory_space<semaphore_mem>>) src(%dma_wait3A_26 : memref<80x128xi32, #tpu.memory_space<hbm>>) dst(%arg6 : memref<80x128xi32, #tpu.memory_space<vmem>>)
      tpu.yield
    }) : () -> ()
    %barrier3A = arith.constant 0 : index
    tpu.barrier barrier_id(%barrier3A)
    %scan3A = arith.constant 0 : i32
    %scan3A_3 = arith.constant 0 : i32
    %scan3A_4 = arith.constant 10 : i32
    %scan3A_5 = arith.addi %scan3A_3, %scan3A_4 : i32
    %scan3A_6 = arith.constant 1 : i32
    scf.for %scan3A_13 = %scan3A_3 to %scan3A_5 step %scan3A_6  : i32 {
      %mul3A_14 = arith.constant 8 : i32
      %mul3A_15 = arith.muli %scan3A_13, %mul3A_14 : i32
      %add3A_16 = arith.constant 0 : i32
      %add3A_17 = arith.addi %mul3A_15, %add3A_16 : i32
      %dma_start3A = arith.constant 0 : i32
      %dma_start3A_18 = tpu.memref_slice %arg6[%add3A_17, %dma_start3A] : memref<80x128xi32, #tpu.memory_space<vmem>> -> memref<1x128xi32, #tpu.memory_space<vmem>>
      %dma_start3A_19 = tpu.memref_squeeze %dma_start3A_18 : memref<1x128xi32, #tpu.memory_space<vmem>> -> memref<128xi32, #tpu.memory_space<vmem>>
      %dma_start3A_20 = arith.constant 0 : i32
      %dma_start3A_21 = arith.constant 0 : i32
      %dma_start3A_22 = tpu.memref_slice %arg8[%dma_start3A_20, %dma_start3A_21] : memref<10112x128xf32, #tpu.memory_space<vmem_shared>> -> memref<10112x128xf32, #tpu.memory_space<vmem_shared>>
      tpu.enqueue_indirect_dma source(%arg7 : memref<128x128xf32, #tpu.memory_space<vmem>>) target(%dma_start3A_22 : memref<10112x128xf32, #tpu.memory_space<vmem_shared>>) offsets(%dma_start3A_19 : memref<128xi32, #tpu.memory_space<vmem>>) semaphore(%arg9 : memref<!tpu.dma_semaphore, #tpu.memory_space<semaphore_mem>>) {add = true}
      %add3A_23 = arith.constant 1 : i32
      %add3A_24 = arith.addi %mul3A_15, %add3A_23 : i32
      %dma_start3A_25 = arith.constant 0 : i32
      %dma_start3A_26 = tpu.memref_slice %arg6[%add3A_24, %dma_start3A_25] : memref<80x128xi32, #tpu.memory_space<vmem>> -> memref<1x128xi32, #tpu.memory_space<vmem>>
      %dma_start3A_27 = tpu.memref_squeeze %dma_start3A_26 : memref<1x128xi32, #tpu.memory_space<vmem>> -> memref<128xi32, #tpu.memory_space<vmem>>
      %dma_start3A_28 = arith.constant 0 : i32
      %dma_start3A_29 = arith.constant 0 : i32
      %dma_start3A_30 = tpu.memref_slice %arg8[%dma_start3A_28, %dma_start3A_29] : memref<10112x128xf32, #tpu.memory_space<vmem_shared>> -> memref<10112x128xf32, #tpu.memory_space<vmem_shared>>
      tpu.enqueue_indirect_dma source(%arg7 : memref<128x128xf32, #tpu.memory_space<vmem>>) target(%dma_start3A_30 : memref<10112x128xf32, #tpu.memory_space<vmem_shared>>) offsets(%dma_start3A_27 : memref<128xi32, #tpu.memory_space<vmem>>) semaphore(%arg9 : memref<!tpu.dma_semaphore, #tpu.memory_space<semaphore_mem>>) {add = true}
      %add3A_31 = arith.constant 2 : i32
      %add3A_32 = arith.addi %mul3A_15, %add3A_31 : i32
      %dma_start3A_33 = arith.constant 0 : i32
      %dma_start3A_34 = tpu.memref_slice %arg6[%add3A_32, %dma_start3A_33] : memref<80x128xi32, #tpu.memory_space<vmem>> -> memref<1x128xi32, #tpu.memory_space<vmem>>
      %dma_start3A_35 = tpu.memref_squeeze %dma_start3A_34 : memref<1x128xi32, #tpu.memory_space<vmem>> -> memref<128xi32, #tpu.memory_space<vmem>>
      %dma_start3A_36 = arith.constant 0 : i32
      %dma_start3A_37 = arith.constant 0 : i32
      %dma_start3A_38 = tpu.memref_slice %arg8[%dma_start3A_36, %dma_start3A_37] : memref<10112x128xf32, #tpu.memory_space<vmem_shared>> -> memref<10112x128xf32, #tpu.memory_space<vmem_shared>>
      tpu.enqueue_indirect_dma source(%arg7 : memref<128x128xf32, #tpu.memory_space<vmem>>) target(%dma_start3A_38 : memref<10112x128xf32, #tpu.memory_space<vmem_shared>>) offsets(%dma_start3A_35 : memref<128xi32, #tpu.memory_space<vmem>>) semaphore(%arg9 : memref<!tpu.dma_semaphore, #tpu.memory_space<semaphore_mem>>) {add = true}
      %add3A_39 = arith.constant 3 : i32
      %add3A_40 = arith.addi %mul3A_15, %add3A_39 : i32
      %dma_start3A_41 = arith.constant 0 : i32
      %dma_start3A_42 = tpu.memref_slice %arg6[%add3A_40, %dma_start3A_41] : memref<80x128xi32, #tpu.memory_space<vmem>> -> memref<1x128xi32, #tpu.memory_space<vmem>>
      %dma_start3A_43 = tpu.memref_squeeze %dma_start3A_42 : memref<1x128xi32, #tpu.memory_space<vmem>> -> memref<128xi32, #tpu.memory_space<vmem>>
      %dma_start3A_44 = arith.constant 0 : i32
      %dma_start3A_45 = arith.constant 0 : i32
      %dma_start3A_46 = tpu.memref_slice %arg8[%dma_start3A_44, %dma_start3A_45] : memref<10112x128xf32, #tpu.memory_space<vmem_shared>> -> memref<10112x128xf32, #tpu.memory_space<vmem_shared>>
      tpu.enqueue_indirect_dma source(%arg7 : memref<128x128xf32, #tpu.memory_space<vmem>>) target(%dma_start3A_46 : memref<10112x128xf32, #tpu.memory_space<vmem_shared>>) offsets(%dma_start3A_43 : memref<128xi32, #tpu.memory_space<vmem>>) semaphore(%arg9 : memref<!tpu.dma_semaphore, #tpu.memory_space<semaphore_mem>>) {add = true}
      %add3A_47 = arith.constant 4 : i32
      %add3A_48 = arith.addi %mul3A_15, %add3A_47 : i32
      %dma_start3A_49 = arith.constant 0 : i32
      %dma_start3A_50 = tpu.memref_slice %arg6[%add3A_48, %dma_start3A_49] : memref<80x128xi32, #tpu.memory_space<vmem>> -> memref<1x128xi32, #tpu.memory_space<vmem>>
      %dma_start3A_51 = tpu.memref_squeeze %dma_start3A_50 : memref<1x128xi32, #tpu.memory_space<vmem>> -> memref<128xi32, #tpu.memory_space<vmem>>
      %dma_start3A_52 = arith.constant 0 : i32
      %dma_start3A_53 = arith.constant 0 : i32
      %dma_start3A_54 = tpu.memref_slice %arg8[%dma_start3A_52, %dma_start3A_53] : memref<10112x128xf32, #tpu.memory_space<vmem_shared>> -> memref<10112x128xf32, #tpu.memory_space<vmem_shared>>
      tpu.enqueue_indirect_dma source(%arg7 : memref<128x128xf32, #tpu.memory_space<vmem>>) target(%dma_start3A_54 : memref<10112x128xf32, #tpu.memory_space<vmem_shared>>) offsets(%dma_start3A_51 : memref<128xi32, #tpu.memory_space<vmem>>) semaphore(%arg9 : memref<!tpu.dma_semaphore, #tpu.memory_space<semaphore_mem>>) {add = true}
      %add3A_55 = arith.constant 5 : i32
      %add3A_56 = arith.addi %mul3A_15, %add3A_55 : i32
      %dma_start3A_57 = arith.constant 0 : i32
      %dma_start3A_58 = tpu.memref_slice %arg6[%add3A_56, %dma_start3A_57] : memref<80x128xi32, #tpu.memory_space<vmem>> -> memref<1x128xi32, #tpu.memory_space<vmem>>
      %dma_start3A_59 = tpu.memref_squeeze %dma_start3A_58 : memref<1x128xi32, #tpu.memory_space<vmem>> -> memref<128xi32, #tpu.memory_space<vmem>>
      %dma_start3A_60 = arith.constant 0 : i32
      %dma_start3A_61 = arith.constant 0 : i32
      %dma_start3A_62 = tpu.memref_slice %arg8[%dma_start3A_60, %dma_start3A_61] : memref<10112x128xf32, #tpu.memory_space<vmem_shared>> -> memref<10112x128xf32, #tpu.memory_space<vmem_shared>>
      tpu.enqueue_indirect_dma source(%arg7 : memref<128x128xf32, #tpu.memory_space<vmem>>) target(%dma_start3A_62 : memref<10112x128xf32, #tpu.memory_space<vmem_shared>>) offsets(%dma_start3A_59 : memref<128xi32, #tpu.memory_space<vmem>>) semaphore(%arg9 : memref<!tpu.dma_semaphore, #tpu.memory_space<semaphore_mem>>) {add = true}
      %add3A_63 = arith.constant 6 : i32
      %add3A_64 = arith.addi %mul3A_15, %add3A_63 : i32
      %dma_start3A_65 = arith.constant 0 : i32
      %dma_start3A_66 = tpu.memref_slice %arg6[%add3A_64, %dma_start3A_65] : memref<80x128xi32, #tpu.memory_space<vmem>> -> memref<1x128xi32, #tpu.memory_space<vmem>>
      %dma_start3A_67 = tpu.memref_squeeze %dma_start3A_66 : memref<1x128xi32, #tpu.memory_space<vmem>> -> memref<128xi32, #tpu.memory_space<vmem>>
      %dma_start3A_68 = arith.constant 0 : i32
      %dma_start3A_69 = arith.constant 0 : i32
      %dma_start3A_70 = tpu.memref_slice %arg8[%dma_start3A_68, %dma_start3A_69] : memref<10112x128xf32, #tpu.memory_space<vmem_shared>> -> memref<10112x128xf32, #tpu.memory_space<vmem_shared>>
      tpu.enqueue_indirect_dma source(%arg7 : memref<128x128xf32, #tpu.memory_space<vmem>>) target(%dma_start3A_70 : memref<10112x128xf32, #tpu.memory_space<vmem_shared>>) offsets(%dma_start3A_67 : memref<128xi32, #tpu.memory_space<vmem>>) semaphore(%arg9 : memref<!tpu.dma_semaphore, #tpu.memory_space<semaphore_mem>>) {add = true}
      %add3A_71 = arith.constant 7 : i32
      %add3A_72 = arith.addi %mul3A_15, %add3A_71 : i32
      %dma_start3A_73 = arith.constant 0 : i32
      %dma_start3A_74 = tpu.memref_slice %arg6[%add3A_72, %dma_start3A_73] : memref<80x128xi32, #tpu.memory_space<vmem>> -> memref<1x128xi32, #tpu.memory_space<vmem>>
      %dma_start3A_75 = tpu.memref_squeeze %dma_start3A_74 : memref<1x128xi32, #tpu.memory_space<vmem>> -> memref<128xi32, #tpu.memory_space<vmem>>
      %dma_start3A_76 = arith.constant 0 : i32
      %dma_start3A_77 = arith.constant 0 : i32
      %dma_start3A_78 = tpu.memref_slice %arg8[%dma_start3A_76, %dma_start3A_77] : memref<10112x128xf32, #tpu.memory_space<vmem_shared>> -> memref<10112x128xf32, #tpu.memory_space<vmem_shared>>
      tpu.enqueue_indirect_dma source(%arg7 : memref<128x128xf32, #tpu.memory_space<vmem>>) target(%dma_start3A_78 : memref<10112x128xf32, #tpu.memory_space<vmem_shared>>) offsets(%dma_start3A_75 : memref<128xi32, #tpu.memory_space<vmem>>) semaphore(%arg9 : memref<!tpu.dma_semaphore, #tpu.memory_space<semaphore_mem>>) {add = true}
      %dma_wait3A = arith.constant 0 : i32
      %dma_wait3A_79 = tpu.memref_slice %arg6[%add3A_17, %dma_wait3A] : memref<80x128xi32, #tpu.memory_space<vmem>> -> memref<1x128xi32, #tpu.memory_space<vmem>>
      %dma_wait3A_80 = tpu.memref_squeeze %dma_wait3A_79 : memref<1x128xi32, #tpu.memory_space<vmem>> -> memref<128xi32, #tpu.memory_space<vmem>>
      %dma_wait3A_81 = arith.constant 0 : i32
      %dma_wait3A_82 = arith.constant 0 : i32
      %dma_wait3A_83 = tpu.memref_slice %arg8[%dma_wait3A_81, %dma_wait3A_82] : memref<10112x128xf32, #tpu.memory_space<vmem_shared>> -> memref<10112x128xf32, #tpu.memory_space<vmem_shared>>
      tpu.wait_indirect_dma semaphore(%arg9 : memref<!tpu.dma_semaphore, #tpu.memory_space<semaphore_mem>>) src(%arg7 : memref<128x128xf32, #tpu.memory_space<vmem>>) dst(%dma_wait3A_83 : memref<10112x128xf32, #tpu.memory_space<vmem_shared>>)
      %dma_wait3A_84 = arith.constant 0 : i32
      %dma_wait3A_85 = tpu.memref_slice %arg6[%add3A_24, %dma_wait3A_84] : memref<80x128xi32, #tpu.memory_space<vmem>> -> memref<1x128xi32, #tpu.memory_space<vmem>>
      %dma_wait3A_86 = tpu.memref_squeeze %dma_wait3A_85 : memref<1x128xi32, #tpu.memory_space<vmem>> -> memref<128xi32, #tpu.memory_space<vmem>>
      %dma_wait3A_87 = arith.constant 0 : i32
      %dma_wait3A_88 = arith.constant 0 : i32
      %dma_wait3A_89 = tpu.memref_slice %arg8[%dma_wait3A_87, %dma_wait3A_88] : memref<10112x128xf32, #tpu.memory_space<vmem_shared>> -> memref<10112x128xf32, #tpu.memory_space<vmem_shared>>
      tpu.wait_indirect_dma semaphore(%arg9 : memref<!tpu.dma_semaphore, #tpu.memory_space<semaphore_mem>>) src(%arg7 : memref<128x128xf32, #tpu.memory_space<vmem>>) dst(%dma_wait3A_89 : memref<10112x128xf32, #tpu.memory_space<vmem_shared>>)
      %dma_wait3A_90 = arith.constant 0 : i32
      %dma_wait3A_91 = tpu.memref_slice %arg6[%add3A_32, %dma_wait3A_90] : memref<80x128xi32, #tpu.memory_space<vmem>> -> memref<1x128xi32, #tpu.memory_space<vmem>>
      %dma_wait3A_92 = tpu.memref_squeeze %dma_wait3A_91 : memref<1x128xi32, #tpu.memory_space<vmem>> -> memref<128xi32, #tpu.memory_space<vmem>>
      %dma_wait3A_93 = arith.constant 0 : i32
      %dma_wait3A_94 = arith.constant 0 : i32
      %dma_wait3A_95 = tpu.memref_slice %arg8[%dma_wait3A_93, %dma_wait3A_94] : memref<10112x128xf32, #tpu.memory_space<vmem_shared>> -> memref<10112x128xf32, #tpu.memory_space<vmem_shared>>
      tpu.wait_indirect_dma semaphore(%arg9 : memref<!tpu.dma_semaphore, #tpu.memory_space<semaphore_mem>>) src(%arg7 : memref<128x128xf32, #tpu.memory_space<vmem>>) dst(%dma_wait3A_95 : memref<10112x128xf32, #tpu.memory_space<vmem_shared>>)
      %dma_wait3A_96 = arith.constant 0 : i32
      %dma_wait3A_97 = tpu.memref_slice %arg6[%add3A_40, %dma_wait3A_96] : memref<80x128xi32, #tpu.memory_space<vmem>> -> memref<1x128xi32, #tpu.memory_space<vmem>>
      %dma_wait3A_98 = tpu.memref_squeeze %dma_wait3A_97 : memref<1x128xi32, #tpu.memory_space<vmem>> -> memref<128xi32, #tpu.memory_space<vmem>>
      %dma_wait3A_99 = arith.constant 0 : i32
      %dma_wait3A_100 = arith.constant 0 : i32
      %dma_wait3A_101 = tpu.memref_slice %arg8[%dma_wait3A_99, %dma_wait3A_100] : memref<10112x128xf32, #tpu.memory_space<vmem_shared>> -> memref<10112x128xf32, #tpu.memory_space<vmem_shared>>
      tpu.wait_indirect_dma semaphore(%arg9 : memref<!tpu.dma_semaphore, #tpu.memory_space<semaphore_mem>>) src(%arg7 : memref<128x128xf32, #tpu.memory_space<vmem>>) dst(%dma_wait3A_101 : memref<10112x128xf32, #tpu.memory_space<vmem_shared>>)
      %dma_wait3A_102 = arith.constant 0 : i32
      %dma_wait3A_103 = tpu.memref_slice %arg6[%add3A_48, %dma_wait3A_102] : memref<80x128xi32, #tpu.memory_space<vmem>> -> memref<1x128xi32, #tpu.memory_space<vmem>>
      %dma_wait3A_104 = tpu.memref_squeeze %dma_wait3A_103 : memref<1x128xi32, #tpu.memory_space<vmem>> -> memref<128xi32, #tpu.memory_space<vmem>>
      %dma_wait3A_105 = arith.constant 0 : i32
      %dma_wait3A_106 = arith.constant 0 : i32
      %dma_wait3A_107 = tpu.memref_slice %arg8[%dma_wait3A_105, %dma_wait3A_106] : memref<10112x128xf32, #tpu.memory_space<vmem_shared>> -> memref<10112x128xf32, #tpu.memory_space<vmem_shared>>
      tpu.wait_indirect_dma semaphore(%arg9 : memref<!tpu.dma_semaphore, #tpu.memory_space<semaphore_mem>>) src(%arg7 : memref<128x128xf32, #tpu.memory_space<vmem>>) dst(%dma_wait3A_107 : memref<10112x128xf32, #tpu.memory_space<vmem_shared>>)
      %dma_wait3A_108 = arith.constant 0 : i32
      %dma_wait3A_109 = tpu.memref_slice %arg6[%add3A_56, %dma_wait3A_108] : memref<80x128xi32, #tpu.memory_space<vmem>> -> memref<1x128xi32, #tpu.memory_space<vmem>>
      %dma_wait3A_110 = tpu.memref_squeeze %dma_wait3A_109 : memref<1x128xi32, #tpu.memory_space<vmem>> -> memref<128xi32, #tpu.memory_space<vmem>>
      %dma_wait3A_111 = arith.constant 0 : i32
      %dma_wait3A_112 = arith.constant 0 : i32
      %dma_wait3A_113 = tpu.memref_slice %arg8[%dma_wait3A_111, %dma_wait3A_112] : memref<10112x128xf32, #tpu.memory_space<vmem_shared>> -> memref<10112x128xf32, #tpu.memory_space<vmem_shared>>
      tpu.wait_indirect_dma semaphore(%arg9 : memref<!tpu.dma_semaphore, #tpu.memory_space<semaphore_mem>>) src(%arg7 : memref<128x128xf32, #tpu.memory_space<vmem>>) dst(%dma_wait3A_113 : memref<10112x128xf32, #tpu.memory_space<vmem_shared>>)
      %dma_wait3A_114 = arith.constant 0 : i32
      %dma_wait3A_115 = tpu.memref_slice %arg6[%add3A_64, %dma_wait3A_114] : memref<80x128xi32, #tpu.memory_space<vmem>> -> memref<1x128xi32, #tpu.memory_space<vmem>>
      %dma_wait3A_116 = tpu.memref_squeeze %dma_wait3A_115 : memref<1x128xi32, #tpu.memory_space<vmem>> -> memref<128xi32, #tpu.memory_space<vmem>>
      %dma_wait3A_117 = arith.constant 0 : i32
      %dma_wait3A_118 = arith.constant 0 : i32
      %dma_wait3A_119 = tpu.memref_slice %arg8[%dma_wait3A_117, %dma_wait3A_118] : memref<10112x128xf32, #tpu.memory_space<vmem_shared>> -> memref<10112x128xf32, #tpu.memory_space<vmem_shared>>
      tpu.wait_indirect_dma semaphore(%arg9 : memref<!tpu.dma_semaphore, #tpu.memory_space<semaphore_mem>>) src(%arg7 : memref<128x128xf32, #tpu.memory_space<vmem>>) dst(%dma_wait3A_119 : memref<10112x128xf32, #tpu.memory_space<vmem_shared>>)
      %dma_wait3A_120 = arith.constant 0 : i32
      %dma_wait3A_121 = tpu.memref_slice %arg6[%add3A_72, %dma_wait3A_120] : memref<80x128xi32, #tpu.memory_space<vmem>> -> memref<1x128xi32, #tpu.memory_space<vmem>>
      %dma_wait3A_122 = tpu.memref_squeeze %dma_wait3A_121 : memref<1x128xi32, #tpu.memory_space<vmem>> -> memref<128xi32, #tpu.memory_space<vmem>>
      %dma_wait3A_123 = arith.constant 0 : i32
      %dma_wait3A_124 = arith.constant 0 : i32
      %dma_wait3A_125 = tpu.memref_slice %arg8[%dma_wait3A_123, %dma_wait3A_124] : memref<10112x128xf32, #tpu.memory_space<vmem_shared>> -> memref<10112x128xf32, #tpu.memory_space<vmem_shared>>
      tpu.wait_indirect_dma semaphore(%arg9 : memref<!tpu.dma_semaphore, #tpu.memory_space<semaphore_mem>>) src(%arg7 : memref<128x128xf32, #tpu.memory_space<vmem>>) dst(%dma_wait3A_125 : memref<10112x128xf32, #tpu.memory_space<vmem_shared>>)
    }
    %scan3A_7 = arith.constant 10 : i32
    %barrier3A_8 = arith.constant 0 : index
    tpu.barrier barrier_id(%barrier3A_8)
    %mul3A_9 = arith.constant 632 : i32
    %mul3A_10 = arith.muli %arg1, %mul3A_9 : i32
    %mul3A_11 = arith.constant 632 : i32
    %mul3A_12 = arith.muli %arg1, %mul3A_11 : i32
    "tpu.region"() ({
      %run_scoped3A = tpu.sem_alloc : memref<!tpu.dma_semaphore, #tpu.memory_space<semaphore_mem>>
      %dma_start3A = arith.constant 0 : i32
      %dma_start3A_13 = tpu.memref_slice %arg5[%arg0, %mul3A_12, %dma_start3A] : memref<2x10112x128xf32, #tpu.memory_space<hbm>> -> memref<1x632x128xf32, #tpu.memory_space<hbm>>
      %dma_start3A_14 = tpu.memref_squeeze %dma_start3A_13 : memref<1x632x128xf32, #tpu.memory_space<hbm>> -> memref<632x128xf32, #tpu.memory_space<hbm>>
      %dma_start3A_15 = arith.constant 0 : i32
      %dma_start3A_16 = tpu.memref_slice %arg8[%mul3A_10, %dma_start3A_15] : memref<10112x128xf32, #tpu.memory_space<vmem_shared>> -> memref<632x128xf32, #tpu.memory_space<vmem_shared>>
      tpu.enqueue_dma source(%dma_start3A_16 : memref<632x128xf32, #tpu.memory_space<vmem_shared>>) target(%dma_start3A_14 : memref<632x128xf32, #tpu.memory_space<hbm>>) target_semaphore(%run_scoped3A : memref<!tpu.dma_semaphore, #tpu.memory_space<semaphore_mem>>)
      %dma_wait3A = arith.constant 0 : i32
      %dma_wait3A_17 = tpu.memref_slice %arg5[%arg0, %mul3A_12, %dma_wait3A] : memref<2x10112x128xf32, #tpu.memory_space<hbm>> -> memref<1x632x128xf32, #tpu.memory_space<hbm>>
      %dma_wait3A_18 = tpu.memref_squeeze %dma_wait3A_17 : memref<1x632x128xf32, #tpu.memory_space<hbm>> -> memref<632x128xf32, #tpu.memory_space<hbm>>
      %dma_wait3A_19 = arith.constant 0 : i32
      %dma_wait3A_20 = tpu.memref_slice %arg8[%mul3A_10, %dma_wait3A_19] : memref<10112x128xf32, #tpu.memory_space<vmem_shared>> -> memref<632x128xf32, #tpu.memory_space<vmem_shared>>
      tpu.wait_dma2 semaphore(%run_scoped3A : memref<!tpu.dma_semaphore, #tpu.memory_space<semaphore_mem>>) src(%dma_wait3A_20 : memref<632x128xf32, #tpu.memory_space<vmem_shared>>) dst(%dma_wait3A_18 : memref<632x128xf32, #tpu.memory_space<hbm>>)
      tpu.yield
    }) : () -> ()
    return
  }
}

#map = affine_map<(d0, d1) -> (0, 0, 0)>
#map1 = affine_map<(d0, d1) -> (0, 0)>
module attributes {stable_mosaic.version = 14 : i64} {
  func.func @_agg_body(%arg0: i32, %arg1: i32, %arg2: memref<16x157x128xi32, #tpu.memory_space<hbm>>, %arg3: memref<16x157x128xi32, #tpu.memory_space<hbm>>, %arg4: memref<10000x128xf32, #tpu.memory_space<hbm>>, %arg5: memref<632x128xf32, #tpu.memory_space<hbm>>, %arg6: memref<10112x128xf32, #tpu.memory_space<hbm>>, %arg7: memref<128xi32, #tpu.memory_space<vmem>>, %arg8: memref<128xi32, #tpu.memory_space<vmem>>, %arg9: memref<128xi32, #tpu.memory_space<vmem>>, %arg10: memref<128xi32, #tpu.memory_space<vmem>>, %arg11: memref<128x128xf32, #tpu.memory_space<vmem>>, %arg12: memref<128x128xf32, #tpu.memory_space<vmem>>, %arg13: memref<10112x128xf32, #tpu.memory_space<vmem_shared>>, %arg14: memref<!tpu.dma_semaphore, #tpu.memory_space<semaphore_mem>>, %arg15: memref<!tpu.dma_semaphore, #tpu.memory_space<semaphore_mem>>, %arg16: memref<!tpu.dma_semaphore, #tpu.memory_space<semaphore_mem>>, %arg17: memref<!tpu.dma_semaphore, #tpu.memory_space<semaphore_mem>>) attributes {dimension_semantics = [#tpu.dimension_semantics<core_parallel>, #tpu.dimension_semantics<subcore_parallel>], iteration_bounds = array<i64: 2, 16>, scalar_prefetch = 0 : i64, scratch_operands = 11 : i64, tpu.core_type = #tpu.core_type<sc_vector_subcore>, window_params = [{transform_indices = #map}, {transform_indices = #map}, {transform_indices = #map1}, {transform_indices = #map1}, {transform_indices = #map1}]} {
    %eq3A = arith.constant 0 : i32
    %eq3A_0 = arith.cmpi eq, %arg0, %eq3A : i32
    %convert_element_type3A = arith.extui %eq3A_0 : i1 to i32
    %cond3A = arith.constant 0 : i32
    %cond3A_1 = arith.cmpi ne, %convert_element_type3A, %cond3A : i32
    scf.if %cond3A_1 {
      %mul3A = arith.constant 632 : i32
      %mul3A_2 = arith.muli %arg1, %mul3A : i32
      "tpu.region"() ({
        %run_scoped3A_32 = tpu.sem_alloc : memref<!tpu.dma_semaphore, #tpu.memory_space<semaphore_mem>>
        %dma_start3A_33 = arith.constant 0 : i32
        %dma_start3A_34 = tpu.memref_slice %arg13[%mul3A_2, %dma_start3A_33] : memref<10112x128xf32, #tpu.memory_space<vmem_shared>> -> memref<632x128xf32, #tpu.memory_space<vmem_shared>>
        tpu.enqueue_dma source(%arg5 : memref<632x128xf32, #tpu.memory_space<hbm>>) target(%dma_start3A_34 : memref<632x128xf32, #tpu.memory_space<vmem_shared>>) target_semaphore(%run_scoped3A_32 : memref<!tpu.dma_semaphore, #tpu.memory_space<semaphore_mem>>)
        %dma_wait3A = arith.constant 0 : i32
        %dma_wait3A_35 = tpu.memref_slice %arg13[%mul3A_2, %dma_wait3A] : memref<10112x128xf32, #tpu.memory_space<vmem_shared>> -> memref<632x128xf32, #tpu.memory_space<vmem_shared>>
        tpu.wait_dma2 semaphore(%run_scoped3A_32 : memref<!tpu.dma_semaphore, #tpu.memory_space<semaphore_mem>>) src(%arg5 : memref<632x128xf32, #tpu.memory_space<hbm>>) dst(%dma_wait3A_35 : memref<632x128xf32, #tpu.memory_space<vmem_shared>>)
        tpu.yield
      }) : () -> ()
      %run_scoped3A = arith.constant 0 : i32
      "tpu.region"() ({
        %run_scoped3A_32 = tpu.sem_alloc : memref<!tpu.dma_semaphore, #tpu.memory_space<semaphore_mem>>
        %dma_start3A_33 = arith.constant 0 : i32
        %dma_start3A_34 = tpu.memref_slice %arg2[%arg1, %run_scoped3A, %dma_start3A_33] : memref<16x157x128xi32, #tpu.memory_space<hbm>> -> memref<1x1x128xi32, #tpu.memory_space<hbm>>
        %dma_start3A_35 = tpu.memref_squeeze %dma_start3A_34 : memref<1x1x128xi32, #tpu.memory_space<hbm>> -> memref<128xi32, #tpu.memory_space<hbm>>
        %dma_start3A_36 = arith.constant 0 : i32
        %dma_start3A_37 = tpu.memref_slice %arg2[%arg1, %run_scoped3A, %dma_start3A_36] : memref<16x157x128xi32, #tpu.memory_space<hbm>> -> memref<1x1x128xi32, #tpu.memory_space<hbm>>
        %dma_start3A_38 = tpu.memref_squeeze %dma_start3A_37 : memref<1x1x128xi32, #tpu.memory_space<hbm>> -> memref<128xi32, #tpu.memory_space<hbm>>
        tpu.enqueue_dma source(%dma_start3A_38 : memref<128xi32, #tpu.memory_space<hbm>>) target(%arg7 : memref<128xi32, #tpu.memory_space<vmem>>) target_semaphore(%run_scoped3A_32 : memref<!tpu.dma_semaphore, #tpu.memory_space<semaphore_mem>>)
        %dma_wait3A = arith.constant 0 : i32
        %dma_wait3A_39 = tpu.memref_slice %arg2[%arg1, %run_scoped3A, %dma_wait3A] : memref<16x157x128xi32, #tpu.memory_space<hbm>> -> memref<1x1x128xi32, #tpu.memory_space<hbm>>
        %dma_wait3A_40 = tpu.memref_squeeze %dma_wait3A_39 : memref<1x1x128xi32, #tpu.memory_space<hbm>> -> memref<128xi32, #tpu.memory_space<hbm>>
        %dma_wait3A_41 = arith.constant 0 : i32
        %dma_wait3A_42 = tpu.memref_slice %arg2[%arg1, %run_scoped3A, %dma_wait3A_41] : memref<16x157x128xi32, #tpu.memory_space<hbm>> -> memref<1x1x128xi32, #tpu.memory_space<hbm>>
        %dma_wait3A_43 = tpu.memref_squeeze %dma_wait3A_42 : memref<1x1x128xi32, #tpu.memory_space<hbm>> -> memref<128xi32, #tpu.memory_space<hbm>>
        tpu.wait_dma2 semaphore(%run_scoped3A_32 : memref<!tpu.dma_semaphore, #tpu.memory_space<semaphore_mem>>) src(%dma_wait3A_43 : memref<128xi32, #tpu.memory_space<hbm>>) dst(%arg7 : memref<128xi32, #tpu.memory_space<vmem>>)
        tpu.yield
      }) : () -> ()
      %run_scoped3A_3 = arith.constant 0 : i32
      "tpu.region"() ({
        %run_scoped3A_32 = tpu.sem_alloc : memref<!tpu.dma_semaphore, #tpu.memory_space<semaphore_mem>>
        %dma_start3A_33 = arith.constant 0 : i32
        %dma_start3A_34 = tpu.memref_slice %arg3[%arg1, %run_scoped3A_3, %dma_start3A_33] : memref<16x157x128xi32, #tpu.memory_space<hbm>> -> memref<1x1x128xi32, #tpu.memory_space<hbm>>
        %dma_start3A_35 = tpu.memref_squeeze %dma_start3A_34 : memref<1x1x128xi32, #tpu.memory_space<hbm>> -> memref<128xi32, #tpu.memory_space<hbm>>
        %dma_start3A_36 = arith.constant 0 : i32
        %dma_start3A_37 = tpu.memref_slice %arg3[%arg1, %run_scoped3A_3, %dma_start3A_36] : memref<16x157x128xi32, #tpu.memory_space<hbm>> -> memref<1x1x128xi32, #tpu.memory_space<hbm>>
        %dma_start3A_38 = tpu.memref_squeeze %dma_start3A_37 : memref<1x1x128xi32, #tpu.memory_space<hbm>> -> memref<128xi32, #tpu.memory_space<hbm>>
        tpu.enqueue_dma source(%dma_start3A_38 : memref<128xi32, #tpu.memory_space<hbm>>) target(%arg9 : memref<128xi32, #tpu.memory_space<vmem>>) target_semaphore(%run_scoped3A_32 : memref<!tpu.dma_semaphore, #tpu.memory_space<semaphore_mem>>)
        %dma_wait3A = arith.constant 0 : i32
        %dma_wait3A_39 = tpu.memref_slice %arg3[%arg1, %run_scoped3A_3, %dma_wait3A] : memref<16x157x128xi32, #tpu.memory_space<hbm>> -> memref<1x1x128xi32, #tpu.memory_space<hbm>>
        %dma_wait3A_40 = tpu.memref_squeeze %dma_wait3A_39 : memref<1x1x128xi32, #tpu.memory_space<hbm>> -> memref<128xi32, #tpu.memory_space<hbm>>
        %dma_wait3A_41 = arith.constant 0 : i32
        %dma_wait3A_42 = tpu.memref_slice %arg3[%arg1, %run_scoped3A_3, %dma_wait3A_41] : memref<16x157x128xi32, #tpu.memory_space<hbm>> -> memref<1x1x128xi32, #tpu.memory_space<hbm>>
        %dma_wait3A_43 = tpu.memref_squeeze %dma_wait3A_42 : memref<1x1x128xi32, #tpu.memory_space<hbm>> -> memref<128xi32, #tpu.memory_space<hbm>>
        tpu.wait_dma2 semaphore(%run_scoped3A_32 : memref<!tpu.dma_semaphore, #tpu.memory_space<semaphore_mem>>) src(%dma_wait3A_43 : memref<128xi32, #tpu.memory_space<hbm>>) dst(%arg9 : memref<128xi32, #tpu.memory_space<vmem>>)
        tpu.yield
      }) : () -> ()
      %dma_start3A = arith.constant 1 : i32
      %dma_start3A_4 = arith.constant 0 : i32
      %dma_start3A_5 = tpu.memref_slice %arg2[%arg1, %dma_start3A, %dma_start3A_4] : memref<16x157x128xi32, #tpu.memory_space<hbm>> -> memref<1x1x128xi32, #tpu.memory_space<hbm>>
      %dma_start3A_6 = tpu.memref_squeeze %dma_start3A_5 : memref<1x1x128xi32, #tpu.memory_space<hbm>> -> memref<128xi32, #tpu.memory_space<hbm>>
      %dma_start3A_7 = arith.constant 0 : i32
      %dma_start3A_8 = tpu.memref_slice %arg2[%arg1, %dma_start3A, %dma_start3A_7] : memref<16x157x128xi32, #tpu.memory_space<hbm>> -> memref<1x1x128xi32, #tpu.memory_space<hbm>>
      %dma_start3A_9 = tpu.memref_squeeze %dma_start3A_8 : memref<1x1x128xi32, #tpu.memory_space<hbm>> -> memref<128xi32, #tpu.memory_space<hbm>>
      tpu.enqueue_dma source(%dma_start3A_9 : memref<128xi32, #tpu.memory_space<hbm>>) target(%arg8 : memref<128xi32, #tpu.memory_space<vmem>>) target_semaphore(%arg17 : memref<!tpu.dma_semaphore, #tpu.memory_space<semaphore_mem>>)
      %dma_start3A_10 = arith.constant 1 : i32
      %dma_start3A_11 = arith.constant 0 : i32
      %dma_start3A_12 = tpu.memref_slice %arg3[%arg1, %dma_start3A_10, %dma_start3A_11] : memref<16x157x128xi32, #tpu.memory_space<hbm>> -> memref<1x1x128xi32, #tpu.memory_space<hbm>>
      %dma_start3A_13 = tpu.memref_squeeze %dma_start3A_12 : memref<1x1x128xi32, #tpu.memory_space<hbm>> -> memref<128xi32, #tpu.memory_space<hbm>>
      %dma_start3A_14 = arith.constant 0 : i32
      %dma_start3A_15 = tpu.memref_slice %arg3[%arg1, %dma_start3A_10, %dma_start3A_14] : memref<16x157x128xi32, #tpu.memory_space<hbm>> -> memref<1x1x128xi32, #tpu.memory_space<hbm>>
      %dma_start3A_16 = tpu.memref_squeeze %dma_start3A_15 : memref<1x1x128xi32, #tpu.memory_space<hbm>> -> memref<128xi32, #tpu.memory_space<hbm>>
      tpu.enqueue_dma source(%dma_start3A_16 : memref<128xi32, #tpu.memory_space<hbm>>) target(%arg10 : memref<128xi32, #tpu.memory_space<vmem>>) target_semaphore(%arg17 : memref<!tpu.dma_semaphore, #tpu.memory_space<semaphore_mem>>)
      %barrier3A = arith.constant 0 : index
      tpu.barrier barrier_id(%barrier3A)
      %dma_start3A_17 = arith.constant 0 : i32
      %dma_start3A_18 = arith.constant 0 : i32
      %dma_start3A_19 = tpu.memref_slice %arg4[%dma_start3A_17, %dma_start3A_18] : memref<10000x128xf32, #tpu.memory_space<hbm>> -> memref<10000x128xf32, #tpu.memory_space<hbm>>
      tpu.enqueue_indirect_dma source(%dma_start3A_19 : memref<10000x128xf32, #tpu.memory_space<hbm>>) target(%arg11 : memref<128x128xf32, #tpu.memory_space<vmem>>) offsets(%arg7 : memref<128xi32, #tpu.memory_space<vmem>>) semaphore(%arg14 : memref<!tpu.dma_semaphore, #tpu.memory_space<semaphore_mem>>)
      %scan3A = arith.constant 0 : i32
      %scan3A_20 = arith.constant 0 : i32
      %scan3A_21 = arith.constant 0 : i32
      %scan3A_22 = arith.constant 0 : i32
      %scan3A_23 = arith.constant 157 : i32
      %scan3A_24 = arith.addi %scan3A_22, %scan3A_23 : i32
      %scan3A_25 = arith.constant 1 : i32
      scf.for %scan3A_32 = %scan3A_22 to %scan3A_24 step %scan3A_25  : i32 {
        %jit3A = arith.constant 2 : i32
        %eq3A_33 = arith.constant 0 : i32
        %eq3A_34 = arith.cmpi eq, %jit3A, %eq3A_33 : i32
        %jit3A_35 = arith.constant 1 : i32
        %select_n3A = arith.select %eq3A_34, %jit3A_35, %jit3A : i32
        %rem3A = arith.remsi %scan3A_32, %select_n3A : i32
        %ne3A = arith.constant 0 : i32
        %ne3A_36 = arith.cmpi ne, %rem3A, %ne3A : i32
        %lt3A = arith.constant 0 : i32
        %lt3A_37 = arith.cmpi slt, %rem3A, %lt3A : i32
        %lt3A_38 = arith.constant 0 : i32
        %lt3A_39 = arith.cmpi slt, %select_n3A, %lt3A_38 : i32
        %ne3A_40 = arith.xori %lt3A_37, %lt3A_39 : i1
        %and3A = arith.andi %ne3A_40, %ne3A_36 : i1
        %add3A = arith.addi %rem3A, %select_n3A : i32
        %select_n3A_41 = arith.select %and3A, %add3A, %rem3A : i32
        %eq3A_42 = arith.constant 0 : i32
        %eq3A_43 = arith.cmpi eq, %select_n3A_41, %eq3A_42 : i32
        %convert_element_type3A_44 = arith.extui %eq3A_43 : i1 to i32
        %cond3A_45 = arith.constant 0 : i32
        %cond3A_46 = arith.cmpi ne, %convert_element_type3A_44, %cond3A_45 : i32
        scf.if %cond3A_46 {
          %dma_wait3A = arith.constant 0 : i32
          %dma_wait3A_68 = arith.constant 0 : i32
          %dma_wait3A_69 = tpu.memref_slice %arg4[%dma_wait3A, %dma_wait3A_68] : memref<10000x128xf32, #tpu.memory_space<hbm>> -> memref<128x128xf32, #tpu.memory_space<hbm>>
          %dma_wait3A_70 = arith.constant 0 : i32
          %dma_wait3A_71 = arith.constant 0 : i32
          %dma_wait3A_72 = tpu.memref_slice %arg4[%dma_wait3A_70, %dma_wait3A_71] : memref<10000x128xf32, #tpu.memory_space<hbm>> -> memref<128x128xf32, #tpu.memory_space<hbm>>
          tpu.wait_dma2 semaphore(%arg14 : memref<!tpu.dma_semaphore, #tpu.memory_space<semaphore_mem>>) src(%dma_wait3A_72 : memref<128x128xf32, #tpu.memory_space<hbm>>) dst(%arg11 : memref<128x128xf32, #tpu.memory_space<vmem>>)
          %add3A_73 = arith.constant 1 : i32
          %add3A_74 = arith.addi %scan3A_32, %add3A_73 : i32
          %lt3A_75 = arith.constant 157 : i32
          %lt3A_76 = arith.cmpi slt, %add3A_74, %lt3A_75 : i32
          %convert_element_type3A_77 = arith.extui %lt3A_76 : i1 to i32
          %cond3A_78 = arith.constant 0 : i32
          %cond3A_79 = arith.cmpi ne, %convert_element_type3A_77, %cond3A_78 : i32
          scf.if %cond3A_79 {
            %dma_wait3A_87 = arith.constant 0 : i32
            %dma_wait3A_88 = tpu.memref_slice %arg2[%scan3A_20, %scan3A_21, %dma_wait3A_87] : memref<16x157x128xi32, #tpu.memory_space<hbm>> -> memref<1x1x128xi32, #tpu.memory_space<hbm>>
            %dma_wait3A_89 = tpu.memref_squeeze %dma_wait3A_88 : memref<1x1x128xi32, #tpu.memory_space<hbm>> -> memref<128xi32, #tpu.memory_space<hbm>>
            %dma_wait3A_90 = arith.constant 0 : i32
            %dma_wait3A_91 = tpu.memref_slice %arg2[%scan3A_20, %scan3A_21, %dma_wait3A_90] : memref<16x157x128xi32, #tpu.memory_space<hbm>> -> memref<1x1x128xi32, #tpu.memory_space<hbm>>
            %dma_wait3A_92 = tpu.memref_squeeze %dma_wait3A_91 : memref<1x1x128xi32, #tpu.memory_space<hbm>> -> memref<128xi32, #tpu.memory_space<hbm>>
            tpu.wait_dma2 semaphore(%arg17 : memref<!tpu.dma_semaphore, #tpu.memory_space<semaphore_mem>>) src(%dma_wait3A_92 : memref<128xi32, #tpu.memory_space<hbm>>) dst(%arg8 : memref<128xi32, #tpu.memory_space<vmem>>)
            %dma_wait3A_93 = arith.constant 0 : i32
            %dma_wait3A_94 = tpu.memref_slice %arg2[%scan3A_20, %scan3A_21, %dma_wait3A_93] : memref<16x157x128xi32, #tpu.memory_space<hbm>> -> memref<1x1x128xi32, #tpu.memory_space<hbm>>
            %dma_wait3A_95 = tpu.memref_squeeze %dma_wait3A_94 : memref<1x1x128xi32, #tpu.memory_space<hbm>> -> memref<128xi32, #tpu.memory_space<hbm>>
            %dma_wait3A_96 = arith.constant 0 : i32
            %dma_wait3A_97 = tpu.memref_slice %arg2[%scan3A_20, %scan3A_21, %dma_wait3A_96] : memref<16x157x128xi32, #tpu.memory_space<hbm>> -> memref<1x1x128xi32, #tpu.memory_space<hbm>>
            %dma_wait3A_98 = tpu.memref_squeeze %dma_wait3A_97 : memref<1x1x128xi32, #tpu.memory_space<hbm>> -> memref<128xi32, #tpu.memory_space<hbm>>
            tpu.wait_dma2 semaphore(%arg17 : memref<!tpu.dma_semaphore, #tpu.memory_space<semaphore_mem>>) src(%dma_wait3A_98 : memref<128xi32, #tpu.memory_space<hbm>>) dst(%arg10 : memref<128xi32, #tpu.memory_space<vmem>>)
            %dma_start3A_99 = arith.constant 0 : i32
            %dma_start3A_100 = arith.constant 0 : i32
            %dma_start3A_101 = tpu.memref_slice %arg4[%dma_start3A_99, %dma_start3A_100] : memref<10000x128xf32, #tpu.memory_space<hbm>> -> memref<10000x128xf32, #tpu.memory_space<hbm>>
            tpu.enqueue_indirect_dma source(%dma_start3A_101 : memref<10000x128xf32, #tpu.memory_space<hbm>>) target(%arg12 : memref<128x128xf32, #tpu.memory_space<vmem>>) offsets(%arg8 : memref<128xi32, #tpu.memory_space<vmem>>) semaphore(%arg15 : memref<!tpu.dma_semaphore, #tpu.memory_space<semaphore_mem>>)
          } else {
          }
          "tpu.region"() ({
            %run_scoped3A_87 = tpu.sem_alloc : memref<!tpu.dma_semaphore, #tpu.memory_space<semaphore_mem>>
            %dma_start3A_88 = arith.constant 0 : i32
            %dma_start3A_89 = arith.constant 0 : i32
            %dma_start3A_90 = tpu.memref_slice %arg13[%dma_start3A_88, %dma_start3A_89] : memref<10112x128xf32, #tpu.memory_space<vmem_shared>> -> memref<10112x128xf32, #tpu.memory_space<vmem_shared>>
            tpu.enqueue_indirect_dma source(%arg11 : memref<128x128xf32, #tpu.memory_space<vmem>>) target(%dma_start3A_90 : memref<10112x128xf32, #tpu.memory_space<vmem_shared>>) offsets(%arg9 : memref<128xi32, #tpu.memory_space<vmem>>) semaphore(%run_scoped3A_87 : memref<!tpu.dma_semaphore, #tpu.memory_space<semaphore_mem>>) {add = true}
            %dma_wait3A_91 = arith.constant 0 : i32
            %dma_wait3A_92 = arith.constant 0 : i32
            %dma_wait3A_93 = tpu.memref_slice %arg13[%dma_wait3A_91, %dma_wait3A_92] : memref<10112x128xf32, #tpu.memory_space<vmem_shared>> -> memref<10112x128xf32, #tpu.memory_space<vmem_shared>>
            tpu.wait_indirect_dma semaphore(%run_scoped3A_87 : memref<!tpu.dma_semaphore, #tpu.memory_space<semaphore_mem>>) src(%arg11 : memref<128x128xf32, #tpu.memory_space<vmem>>) dst(%dma_wait3A_93 : memref<10112x128xf32, #tpu.memory_space<vmem_shared>>)
            tpu.yield
          }) : () -> ()
          %add3A_80 = arith.constant 2 : i32
          %add3A_81 = arith.addi %scan3A_32, %add3A_80 : i32
          %lt3A_82 = arith.constant 157 : i32
          %lt3A_83 = arith.cmpi slt, %add3A_81, %lt3A_82 : i32
          %convert_element_type3A_84 = arith.extui %lt3A_83 : i1 to i32
          %cond3A_85 = arith.constant 0 : i32
          %cond3A_86 = arith.cmpi ne, %convert_element_type3A_84, %cond3A_85 : i32
          scf.if %cond3A_86 {
            %add3A_87 = arith.constant 2 : i32
            %add3A_88 = arith.addi %scan3A_32, %add3A_87 : i32
            %dma_start3A_89 = arith.constant 0 : i32
            %dma_start3A_90 = tpu.memref_slice %arg2[%arg1, %add3A_88, %dma_start3A_89] : memref<16x157x128xi32, #tpu.memory_space<hbm>> -> memref<1x1x128xi32, #tpu.memory_space<hbm>>
            %dma_start3A_91 = tpu.memref_squeeze %dma_start3A_90 : memref<1x1x128xi32, #tpu.memory_space<hbm>> -> memref<128xi32, #tpu.memory_space<hbm>>
            %dma_start3A_92 = arith.constant 0 : i32
            %dma_start3A_93 = tpu.memref_slice %arg2[%arg1, %add3A_88, %dma_start3A_92] : memref<16x157x128xi32, #tpu.memory_space<hbm>> -> memref<1x1x128xi32, #tpu.memory_space<hbm>>
            %dma_start3A_94 = tpu.memref_squeeze %dma_start3A_93 : memref<1x1x128xi32, #tpu.memory_space<hbm>> -> memref<128xi32, #tpu.memory_space<hbm>>
            tpu.enqueue_dma source(%dma_start3A_94 : memref<128xi32, #tpu.memory_space<hbm>>) target(%arg7 : memref<128xi32, #tpu.memory_space<vmem>>) target_semaphore(%arg16 : memref<!tpu.dma_semaphore, #tpu.memory_space<semaphore_mem>>)
            %add3A_95 = arith.constant 2 : i32
            %add3A_96 = arith.addi %scan3A_32, %add3A_95 : i32
            %dma_start3A_97 = arith.constant 0 : i32
            %dma_start3A_98 = tpu.memref_slice %arg3[%arg1, %add3A_96, %dma_start3A_97] : memref<16x157x128xi32, #tpu.memory_space<hbm>> -> memref<1x1x128xi32, #tpu.memory_space<hbm>>
            %dma_start3A_99 = tpu.memref_squeeze %dma_start3A_98 : memref<1x1x128xi32, #tpu.memory_space<hbm>> -> memref<128xi32, #tpu.memory_space<hbm>>
            %dma_start3A_100 = arith.constant 0 : i32
            %dma_start3A_101 = tpu.memref_slice %arg3[%arg1, %add3A_96, %dma_start3A_100] : memref<16x157x128xi32, #tpu.memory_space<hbm>> -> memref<1x1x128xi32, #tpu.memory_space<hbm>>
            %dma_start3A_102 = tpu.memref_squeeze %dma_start3A_101 : memref<1x1x128xi32, #tpu.memory_space<hbm>> -> memref<128xi32, #tpu.memory_space<hbm>>
            tpu.enqueue_dma source(%dma_start3A_102 : memref<128xi32, #tpu.memory_space<hbm>>) target(%arg9 : memref<128xi32, #tpu.memory_space<vmem>>) target_semaphore(%arg16 : memref<!tpu.dma_semaphore, #tpu.memory_space<semaphore_mem>>)
          } else {
          }
        } else {
        }
        %jit3A_47 = arith.constant 2 : i32
        %eq3A_48 = arith.constant 0 : i32
        %eq3A_49 = arith.cmpi eq, %jit3A_47, %eq3A_48 : i32
        %jit3A_50 = arith.constant 1 : i32
        %select_n3A_51 = arith.select %eq3A_49, %jit3A_50, %jit3A_47 : i32
        %rem3A_52 = arith.remsi %scan3A_32, %select_n3A_51 : i32
        %ne3A_53 = arith.constant 0 : i32
        %ne3A_54 = arith.cmpi ne, %rem3A_52, %ne3A_53 : i32
        %lt3A_55 = arith.constant 0 : i32
        %lt3A_56 = arith.cmpi slt, %rem3A_52, %lt3A_55 : i32
        %lt3A_57 = arith.constant 0 : i32
        %lt3A_58 = arith.cmpi slt, %select_n3A_51, %lt3A_57 : i32
        %ne3A_59 = arith.xori %lt3A_56, %lt3A_58 : i1
        %and3A_60 = arith.andi %ne3A_59, %ne3A_54 : i1
        %add3A_61 = arith.addi %rem3A_52, %select_n3A_51 : i32
        %select_n3A_62 = arith.select %and3A_60, %add3A_61, %rem3A_52 : i32
        %eq3A_63 = arith.constant 1 : i32
        %eq3A_64 = arith.cmpi eq, %select_n3A_62, %eq3A_63 : i32
        %convert_element_type3A_65 = arith.extui %eq3A_64 : i1 to i32
        %cond3A_66 = arith.constant 0 : i32
        %cond3A_67 = arith.cmpi ne, %convert_element_type3A_65, %cond3A_66 : i32
        scf.if %cond3A_67 {
          %dma_wait3A = arith.constant 0 : i32
          %dma_wait3A_68 = arith.constant 0 : i32
          %dma_wait3A_69 = tpu.memref_slice %arg4[%dma_wait3A, %dma_wait3A_68] : memref<10000x128xf32, #tpu.memory_space<hbm>> -> memref<128x128xf32, #tpu.memory_space<hbm>>
          %dma_wait3A_70 = arith.constant 0 : i32
          %dma_wait3A_71 = arith.constant 0 : i32
          %dma_wait3A_72 = tpu.memref_slice %arg4[%dma_wait3A_70, %dma_wait3A_71] : memref<10000x128xf32, #tpu.memory_space<hbm>> -> memref<128x128xf32, #tpu.memory_space<hbm>>
          tpu.wait_dma2 semaphore(%arg15 : memref<!tpu.dma_semaphore, #tpu.memory_space<semaphore_mem>>) src(%dma_wait3A_72 : memref<128x128xf32, #tpu.memory_space<hbm>>) dst(%arg12 : memref<128x128xf32, #tpu.memory_space<vmem>>)
          %add3A_73 = arith.constant 1 : i32
          %add3A_74 = arith.addi %scan3A_32, %add3A_73 : i32
          %lt3A_75 = arith.constant 157 : i32
          %lt3A_76 = arith.cmpi slt, %add3A_74, %lt3A_75 : i32
          %convert_element_type3A_77 = arith.extui %lt3A_76 : i1 to i32
          %cond3A_78 = arith.constant 0 : i32
          %cond3A_79 = arith.cmpi ne, %convert_element_type3A_77, %cond3A_78 : i32
          scf.if %cond3A_79 {
            %dma_wait3A_87 = arith.constant 0 : i32
            %dma_wait3A_88 = tpu.memref_slice %arg2[%scan3A_20, %scan3A_21, %dma_wait3A_87] : memref<16x157x128xi32, #tpu.memory_space<hbm>> -> memref<1x1x128xi32, #tpu.memory_space<hbm>>
            %dma_wait3A_89 = tpu.memref_squeeze %dma_wait3A_88 : memref<1x1x128xi32, #tpu.memory_space<hbm>> -> memref<128xi32, #tpu.memory_space<hbm>>
            %dma_wait3A_90 = arith.constant 0 : i32
            %dma_wait3A_91 = tpu.memref_slice %arg2[%scan3A_20, %scan3A_21, %dma_wait3A_90] : memref<16x157x128xi32, #tpu.memory_space<hbm>> -> memref<1x1x128xi32, #tpu.memory_space<hbm>>
            %dma_wait3A_92 = tpu.memref_squeeze %dma_wait3A_91 : memref<1x1x128xi32, #tpu.memory_space<hbm>> -> memref<128xi32, #tpu.memory_space<hbm>>
            tpu.wait_dma2 semaphore(%arg16 : memref<!tpu.dma_semaphore, #tpu.memory_space<semaphore_mem>>) src(%dma_wait3A_92 : memref<128xi32, #tpu.memory_space<hbm>>) dst(%arg7 : memref<128xi32, #tpu.memory_space<vmem>>)
            %dma_wait3A_93 = arith.constant 0 : i32
            %dma_wait3A_94 = tpu.memref_slice %arg2[%scan3A_20, %scan3A_21, %dma_wait3A_93] : memref<16x157x128xi32, #tpu.memory_space<hbm>> -> memref<1x1x128xi32, #tpu.memory_space<hbm>>
            %dma_wait3A_95 = tpu.memref_squeeze %dma_wait3A_94 : memref<1x1x128xi32, #tpu.memory_space<hbm>> -> memref<128xi32, #tpu.memory_space<hbm>>
            %dma_wait3A_96 = arith.constant 0 : i32
            %dma_wait3A_97 = tpu.memref_slice %arg2[%scan3A_20, %scan3A_21, %dma_wait3A_96] : memref<16x157x128xi32, #tpu.memory_space<hbm>> -> memref<1x1x128xi32, #tpu.memory_space<hbm>>
            %dma_wait3A_98 = tpu.memref_squeeze %dma_wait3A_97 : memref<1x1x128xi32, #tpu.memory_space<hbm>> -> memref<128xi32, #tpu.memory_space<hbm>>
            tpu.wait_dma2 semaphore(%arg16 : memref<!tpu.dma_semaphore, #tpu.memory_space<semaphore_mem>>) src(%dma_wait3A_98 : memref<128xi32, #tpu.memory_space<hbm>>) dst(%arg9 : memref<128xi32, #tpu.memory_space<vmem>>)
            %dma_start3A_99 = arith.constant 0 : i32
            %dma_start3A_100 = arith.constant 0 : i32
            %dma_start3A_101 = tpu.memref_slice %arg4[%dma_start3A_99, %dma_start3A_100] : memref<10000x128xf32, #tpu.memory_space<hbm>> -> memref<10000x128xf32, #tpu.memory_space<hbm>>
            tpu.enqueue_indirect_dma source(%dma_start3A_101 : memref<10000x128xf32, #tpu.memory_space<hbm>>) target(%arg11 : memref<128x128xf32, #tpu.memory_space<vmem>>) offsets(%arg7 : memref<128xi32, #tpu.memory_space<vmem>>) semaphore(%arg14 : memref<!tpu.dma_semaphore, #tpu.memory_space<semaphore_mem>>)
          } else {
          }
          "tpu.region"() ({
            %run_scoped3A_87 = tpu.sem_alloc : memref<!tpu.dma_semaphore, #tpu.memory_space<semaphore_mem>>
            %dma_start3A_88 = arith.constant 0 : i32
            %dma_start3A_89 = arith.constant 0 : i32
            %dma_start3A_90 = tpu.memref_slice %arg13[%dma_start3A_88, %dma_start3A_89] : memref<10112x128xf32, #tpu.memory_space<vmem_shared>> -> memref<10112x128xf32, #tpu.memory_space<vmem_shared>>
            tpu.enqueue_indirect_dma source(%arg12 : memref<128x128xf32, #tpu.memory_space<vmem>>) target(%dma_start3A_90 : memref<10112x128xf32, #tpu.memory_space<vmem_shared>>) offsets(%arg10 : memref<128xi32, #tpu.memory_space<vmem>>) semaphore(%run_scoped3A_87 : memref<!tpu.dma_semaphore, #tpu.memory_space<semaphore_mem>>) {add = true}
            %dma_wait3A_91 = arith.constant 0 : i32
            %dma_wait3A_92 = arith.constant 0 : i32
            %dma_wait3A_93 = tpu.memref_slice %arg13[%dma_wait3A_91, %dma_wait3A_92] : memref<10112x128xf32, #tpu.memory_space<vmem_shared>> -> memref<10112x128xf32, #tpu.memory_space<vmem_shared>>
            tpu.wait_indirect_dma semaphore(%run_scoped3A_87 : memref<!tpu.dma_semaphore, #tpu.memory_space<semaphore_mem>>) src(%arg12 : memref<128x128xf32, #tpu.memory_space<vmem>>) dst(%dma_wait3A_93 : memref<10112x128xf32, #tpu.memory_space<vmem_shared>>)
            tpu.yield
          }) : () -> ()
          %add3A_80 = arith.constant 2 : i32
          %add3A_81 = arith.addi %scan3A_32, %add3A_80 : i32
          %lt3A_82 = arith.constant 157 : i32
          %lt3A_83 = arith.cmpi slt, %add3A_81, %lt3A_82 : i32
          %convert_element_type3A_84 = arith.extui %lt3A_83 : i1 to i32
          %cond3A_85 = arith.constant 0 : i32
          %cond3A_86 = arith.cmpi ne, %convert_element_type3A_84, %cond3A_85 : i32
          scf.if %cond3A_86 {
            %add3A_87 = arith.constant 2 : i32
            %add3A_88 = arith.addi %scan3A_32, %add3A_87 : i32
            %dma_start3A_89 = arith.constant 0 : i32
            %dma_start3A_90 = tpu.memref_slice %arg2[%arg1, %add3A_88, %dma_start3A_89] : memref<16x157x128xi32, #tpu.memory_space<hbm>> -> memref<1x1x128xi32, #tpu.memory_space<hbm>>
            %dma_start3A_91 = tpu.memref_squeeze %dma_start3A_90 : memref<1x1x128xi32, #tpu.memory_space<hbm>> -> memref<128xi32, #tpu.memory_space<hbm>>
            %dma_start3A_92 = arith.constant 0 : i32
            %dma_start3A_93 = tpu.memref_slice %arg2[%arg1, %add3A_88, %dma_start3A_92] : memref<16x157x128xi32, #tpu.memory_space<hbm>> -> memref<1x1x128xi32, #tpu.memory_space<hbm>>
            %dma_start3A_94 = tpu.memref_squeeze %dma_start3A_93 : memref<1x1x128xi32, #tpu.memory_space<hbm>> -> memref<128xi32, #tpu.memory_space<hbm>>
            tpu.enqueue_dma source(%dma_start3A_94 : memref<128xi32, #tpu.memory_space<hbm>>) target(%arg8 : memref<128xi32, #tpu.memory_space<vmem>>) target_semaphore(%arg17 : memref<!tpu.dma_semaphore, #tpu.memory_space<semaphore_mem>>)
            %add3A_95 = arith.constant 2 : i32
            %add3A_96 = arith.addi %scan3A_32, %add3A_95 : i32
            %dma_start3A_97 = arith.constant 0 : i32
            %dma_start3A_98 = tpu.memref_slice %arg3[%arg1, %add3A_96, %dma_start3A_97] : memref<16x157x128xi32, #tpu.memory_space<hbm>> -> memref<1x1x128xi32, #tpu.memory_space<hbm>>
            %dma_start3A_99 = tpu.memref_squeeze %dma_start3A_98 : memref<1x1x128xi32, #tpu.memory_space<hbm>> -> memref<128xi32, #tpu.memory_space<hbm>>
            %dma_start3A_100 = arith.constant 0 : i32
            %dma_start3A_101 = tpu.memref_slice %arg3[%arg1, %add3A_96, %dma_start3A_100] : memref<16x157x128xi32, #tpu.memory_space<hbm>> -> memref<1x1x128xi32, #tpu.memory_space<hbm>>
            %dma_start3A_102 = tpu.memref_squeeze %dma_start3A_101 : memref<1x1x128xi32, #tpu.memory_space<hbm>> -> memref<128xi32, #tpu.memory_space<hbm>>
            tpu.enqueue_dma source(%dma_start3A_102 : memref<128xi32, #tpu.memory_space<hbm>>) target(%arg10 : memref<128xi32, #tpu.memory_space<vmem>>) target_semaphore(%arg17 : memref<!tpu.dma_semaphore, #tpu.memory_space<semaphore_mem>>)
          } else {
          }
        } else {
        }
      }
      %scan3A_26 = arith.constant 157 : i32
      %barrier3A_27 = arith.constant 0 : index
      tpu.barrier barrier_id(%barrier3A_27)
      %mul3A_28 = arith.constant 632 : i32
      %mul3A_29 = arith.muli %arg1, %mul3A_28 : i32
      %mul3A_30 = arith.constant 632 : i32
      %mul3A_31 = arith.muli %arg1, %mul3A_30 : i32
      "tpu.region"() ({
        %run_scoped3A_32 = tpu.sem_alloc : memref<!tpu.dma_semaphore, #tpu.memory_space<semaphore_mem>>
        %dma_start3A_33 = arith.constant 0 : i32
        %dma_start3A_34 = tpu.memref_slice %arg6[%mul3A_31, %dma_start3A_33] : memref<10112x128xf32, #tpu.memory_space<hbm>> -> memref<632x128xf32, #tpu.memory_space<hbm>>
        %dma_start3A_35 = arith.constant 0 : i32
        %dma_start3A_36 = tpu.memref_slice %arg13[%mul3A_29, %dma_start3A_35] : memref<10112x128xf32, #tpu.memory_space<vmem_shared>> -> memref<632x128xf32, #tpu.memory_space<vmem_shared>>
        tpu.enqueue_dma source(%dma_start3A_36 : memref<632x128xf32, #tpu.memory_space<vmem_shared>>) target(%dma_start3A_34 : memref<632x128xf32, #tpu.memory_space<hbm>>) target_semaphore(%run_scoped3A_32 : memref<!tpu.dma_semaphore, #tpu.memory_space<semaphore_mem>>)
        %dma_wait3A = arith.constant 0 : i32
        %dma_wait3A_37 = tpu.memref_slice %arg6[%mul3A_31, %dma_wait3A] : memref<10112x128xf32, #tpu.memory_space<hbm>> -> memref<632x128xf32, #tpu.memory_space<hbm>>
        %dma_wait3A_38 = arith.constant 0 : i32
        %dma_wait3A_39 = tpu.memref_slice %arg13[%mul3A_29, %dma_wait3A_38] : memref<10112x128xf32, #tpu.memory_space<vmem_shared>> -> memref<632x128xf32, #tpu.memory_space<vmem_shared>>
        tpu.wait_dma2 semaphore(%run_scoped3A_32 : memref<!tpu.dma_semaphore, #tpu.memory_space<semaphore_mem>>) src(%dma_wait3A_39 : memref<632x128xf32, #tpu.memory_space<vmem_shared>>) dst(%dma_wait3A_37 : memref<632x128xf32, #tpu.memory_space<hbm>>)
        tpu.yield
      }) : () -> ()
    } else {
    }
    return
  }
}

#map = affine_map<(d0, d1) -> (0, 0, 0)>
#map1 = affine_map<(d0, d1) -> (0, 0)>
module attributes {stable_mosaic.version = 14 : i64} {
  func.func @_agg_body(%arg0: i32, %arg1: i32, %arg2: memref<16x157x128xi32, #tpu.memory_space<hbm>>, %arg3: memref<16x157x128xi32, #tpu.memory_space<hbm>>, %arg4: memref<10000x128xf32, #tpu.memory_space<hbm>>, %arg5: memref<632x128xf32, #tpu.memory_space<hbm>>, %arg6: memref<10112x128xf32, #tpu.memory_space<hbm>>, %arg7: memref<128xi32, #tpu.memory_space<vmem>>, %arg8: memref<128xi32, #tpu.memory_space<vmem>>, %arg9: memref<128xi32, #tpu.memory_space<vmem>>, %arg10: memref<128xi32, #tpu.memory_space<vmem>>, %arg11: memref<128x128xf32, #tpu.memory_space<vmem>>, %arg12: memref<128x128xf32, #tpu.memory_space<vmem>>, %arg13: memref<10112x128xf32, #tpu.memory_space<vmem_shared>>, %arg14: memref<!tpu.dma_semaphore, #tpu.memory_space<semaphore_mem>>, %arg15: memref<!tpu.dma_semaphore, #tpu.memory_space<semaphore_mem>>, %arg16: memref<!tpu.dma_semaphore, #tpu.memory_space<semaphore_mem>>, %arg17: memref<!tpu.dma_semaphore, #tpu.memory_space<semaphore_mem>>) attributes {dimension_semantics = [#tpu.dimension_semantics<core_parallel>, #tpu.dimension_semantics<subcore_parallel>], iteration_bounds = array<i64: 2, 16>, scalar_prefetch = 0 : i64, scratch_operands = 11 : i64, tpu.core_type = #tpu.core_type<sc_vector_subcore>, window_params = [{transform_indices = #map}, {transform_indices = #map}, {transform_indices = #map1}, {transform_indices = #map1}, {transform_indices = #map1}]} {
    %eq3A = arith.constant 0 : i32
    %eq3A_0 = arith.cmpi eq, %arg0, %eq3A : i32
    %convert_element_type3A = arith.extui %eq3A_0 : i1 to i32
    %cond3A = arith.constant 0 : i32
    %cond3A_1 = arith.cmpi ne, %convert_element_type3A, %cond3A : i32
    scf.if %cond3A_1 {
      %mul3A = arith.constant 632 : i32
      %mul3A_2 = arith.muli %arg1, %mul3A : i32
      "tpu.region"() ({
        %run_scoped3A_32 = tpu.sem_alloc : memref<!tpu.dma_semaphore, #tpu.memory_space<semaphore_mem>>
        %dma_start3A_33 = arith.constant 0 : i32
        %dma_start3A_34 = tpu.memref_slice %arg13[%mul3A_2, %dma_start3A_33] : memref<10112x128xf32, #tpu.memory_space<vmem_shared>> -> memref<632x128xf32, #tpu.memory_space<vmem_shared>>
        tpu.enqueue_dma source(%arg5 : memref<632x128xf32, #tpu.memory_space<hbm>>) target(%dma_start3A_34 : memref<632x128xf32, #tpu.memory_space<vmem_shared>>) target_semaphore(%run_scoped3A_32 : memref<!tpu.dma_semaphore, #tpu.memory_space<semaphore_mem>>)
        %dma_wait3A = arith.constant 0 : i32
        %dma_wait3A_35 = tpu.memref_slice %arg13[%mul3A_2, %dma_wait3A] : memref<10112x128xf32, #tpu.memory_space<vmem_shared>> -> memref<632x128xf32, #tpu.memory_space<vmem_shared>>
        tpu.wait_dma2 semaphore(%run_scoped3A_32 : memref<!tpu.dma_semaphore, #tpu.memory_space<semaphore_mem>>) src(%arg5 : memref<632x128xf32, #tpu.memory_space<hbm>>) dst(%dma_wait3A_35 : memref<632x128xf32, #tpu.memory_space<vmem_shared>>)
        tpu.yield
      }) : () -> ()
      %run_scoped3A = arith.constant 0 : i32
      "tpu.region"() ({
        %run_scoped3A_32 = tpu.sem_alloc : memref<!tpu.dma_semaphore, #tpu.memory_space<semaphore_mem>>
        %dma_start3A_33 = arith.constant 0 : i32
        %dma_start3A_34 = tpu.memref_slice %arg2[%arg1, %run_scoped3A, %dma_start3A_33] : memref<16x157x128xi32, #tpu.memory_space<hbm>> -> memref<1x1x128xi32, #tpu.memory_space<hbm>>
        %dma_start3A_35 = tpu.memref_squeeze %dma_start3A_34 : memref<1x1x128xi32, #tpu.memory_space<hbm>> -> memref<128xi32, #tpu.memory_space<hbm>>
        %dma_start3A_36 = arith.constant 0 : i32
        %dma_start3A_37 = tpu.memref_slice %arg2[%arg1, %run_scoped3A, %dma_start3A_36] : memref<16x157x128xi32, #tpu.memory_space<hbm>> -> memref<1x1x128xi32, #tpu.memory_space<hbm>>
        %dma_start3A_38 = tpu.memref_squeeze %dma_start3A_37 : memref<1x1x128xi32, #tpu.memory_space<hbm>> -> memref<128xi32, #tpu.memory_space<hbm>>
        tpu.enqueue_dma source(%dma_start3A_38 : memref<128xi32, #tpu.memory_space<hbm>>) target(%arg7 : memref<128xi32, #tpu.memory_space<vmem>>) target_semaphore(%run_scoped3A_32 : memref<!tpu.dma_semaphore, #tpu.memory_space<semaphore_mem>>)
        %dma_wait3A = arith.constant 0 : i32
        %dma_wait3A_39 = tpu.memref_slice %arg2[%arg1, %run_scoped3A, %dma_wait3A] : memref<16x157x128xi32, #tpu.memory_space<hbm>> -> memref<1x1x128xi32, #tpu.memory_space<hbm>>
        %dma_wait3A_40 = tpu.memref_squeeze %dma_wait3A_39 : memref<1x1x128xi32, #tpu.memory_space<hbm>> -> memref<128xi32, #tpu.memory_space<hbm>>
        %dma_wait3A_41 = arith.constant 0 : i32
        %dma_wait3A_42 = tpu.memref_slice %arg2[%arg1, %run_scoped3A, %dma_wait3A_41] : memref<16x157x128xi32, #tpu.memory_space<hbm>> -> memref<1x1x128xi32, #tpu.memory_space<hbm>>
        %dma_wait3A_43 = tpu.memref_squeeze %dma_wait3A_42 : memref<1x1x128xi32, #tpu.memory_space<hbm>> -> memref<128xi32, #tpu.memory_space<hbm>>
        tpu.wait_dma2 semaphore(%run_scoped3A_32 : memref<!tpu.dma_semaphore, #tpu.memory_space<semaphore_mem>>) src(%dma_wait3A_43 : memref<128xi32, #tpu.memory_space<hbm>>) dst(%arg7 : memref<128xi32, #tpu.memory_space<vmem>>)
        tpu.yield
      }) : () -> ()
      %run_scoped3A_3 = arith.constant 0 : i32
      "tpu.region"() ({
        %run_scoped3A_32 = tpu.sem_alloc : memref<!tpu.dma_semaphore, #tpu.memory_space<semaphore_mem>>
        %dma_start3A_33 = arith.constant 0 : i32
        %dma_start3A_34 = tpu.memref_slice %arg3[%arg1, %run_scoped3A_3, %dma_start3A_33] : memref<16x157x128xi32, #tpu.memory_space<hbm>> -> memref<1x1x128xi32, #tpu.memory_space<hbm>>
        %dma_start3A_35 = tpu.memref_squeeze %dma_start3A_34 : memref<1x1x128xi32, #tpu.memory_space<hbm>> -> memref<128xi32, #tpu.memory_space<hbm>>
        %dma_start3A_36 = arith.constant 0 : i32
        %dma_start3A_37 = tpu.memref_slice %arg3[%arg1, %run_scoped3A_3, %dma_start3A_36] : memref<16x157x128xi32, #tpu.memory_space<hbm>> -> memref<1x1x128xi32, #tpu.memory_space<hbm>>
        %dma_start3A_38 = tpu.memref_squeeze %dma_start3A_37 : memref<1x1x128xi32, #tpu.memory_space<hbm>> -> memref<128xi32, #tpu.memory_space<hbm>>
        tpu.enqueue_dma source(%dma_start3A_38 : memref<128xi32, #tpu.memory_space<hbm>>) target(%arg9 : memref<128xi32, #tpu.memory_space<vmem>>) target_semaphore(%run_scoped3A_32 : memref<!tpu.dma_semaphore, #tpu.memory_space<semaphore_mem>>)
        %dma_wait3A = arith.constant 0 : i32
        %dma_wait3A_39 = tpu.memref_slice %arg3[%arg1, %run_scoped3A_3, %dma_wait3A] : memref<16x157x128xi32, #tpu.memory_space<hbm>> -> memref<1x1x128xi32, #tpu.memory_space<hbm>>
        %dma_wait3A_40 = tpu.memref_squeeze %dma_wait3A_39 : memref<1x1x128xi32, #tpu.memory_space<hbm>> -> memref<128xi32, #tpu.memory_space<hbm>>
        %dma_wait3A_41 = arith.constant 0 : i32
        %dma_wait3A_42 = tpu.memref_slice %arg3[%arg1, %run_scoped3A_3, %dma_wait3A_41] : memref<16x157x128xi32, #tpu.memory_space<hbm>> -> memref<1x1x128xi32, #tpu.memory_space<hbm>>
        %dma_wait3A_43 = tpu.memref_squeeze %dma_wait3A_42 : memref<1x1x128xi32, #tpu.memory_space<hbm>> -> memref<128xi32, #tpu.memory_space<hbm>>
        tpu.wait_dma2 semaphore(%run_scoped3A_32 : memref<!tpu.dma_semaphore, #tpu.memory_space<semaphore_mem>>) src(%dma_wait3A_43 : memref<128xi32, #tpu.memory_space<hbm>>) dst(%arg9 : memref<128xi32, #tpu.memory_space<vmem>>)
        tpu.yield
      }) : () -> ()
      %dma_start3A = arith.constant 1 : i32
      %dma_start3A_4 = arith.constant 0 : i32
      %dma_start3A_5 = tpu.memref_slice %arg2[%arg1, %dma_start3A, %dma_start3A_4] : memref<16x157x128xi32, #tpu.memory_space<hbm>> -> memref<1x1x128xi32, #tpu.memory_space<hbm>>
      %dma_start3A_6 = tpu.memref_squeeze %dma_start3A_5 : memref<1x1x128xi32, #tpu.memory_space<hbm>> -> memref<128xi32, #tpu.memory_space<hbm>>
      %dma_start3A_7 = arith.constant 0 : i32
      %dma_start3A_8 = tpu.memref_slice %arg2[%arg1, %dma_start3A, %dma_start3A_7] : memref<16x157x128xi32, #tpu.memory_space<hbm>> -> memref<1x1x128xi32, #tpu.memory_space<hbm>>
      %dma_start3A_9 = tpu.memref_squeeze %dma_start3A_8 : memref<1x1x128xi32, #tpu.memory_space<hbm>> -> memref<128xi32, #tpu.memory_space<hbm>>
      tpu.enqueue_dma source(%dma_start3A_9 : memref<128xi32, #tpu.memory_space<hbm>>) target(%arg8 : memref<128xi32, #tpu.memory_space<vmem>>) target_semaphore(%arg17 : memref<!tpu.dma_semaphore, #tpu.memory_space<semaphore_mem>>)
      %dma_start3A_10 = arith.constant 1 : i32
      %dma_start3A_11 = arith.constant 0 : i32
      %dma_start3A_12 = tpu.memref_slice %arg3[%arg1, %dma_start3A_10, %dma_start3A_11] : memref<16x157x128xi32, #tpu.memory_space<hbm>> -> memref<1x1x128xi32, #tpu.memory_space<hbm>>
      %dma_start3A_13 = tpu.memref_squeeze %dma_start3A_12 : memref<1x1x128xi32, #tpu.memory_space<hbm>> -> memref<128xi32, #tpu.memory_space<hbm>>
      %dma_start3A_14 = arith.constant 0 : i32
      %dma_start3A_15 = tpu.memref_slice %arg3[%arg1, %dma_start3A_10, %dma_start3A_14] : memref<16x157x128xi32, #tpu.memory_space<hbm>> -> memref<1x1x128xi32, #tpu.memory_space<hbm>>
      %dma_start3A_16 = tpu.memref_squeeze %dma_start3A_15 : memref<1x1x128xi32, #tpu.memory_space<hbm>> -> memref<128xi32, #tpu.memory_space<hbm>>
      tpu.enqueue_dma source(%dma_start3A_16 : memref<128xi32, #tpu.memory_space<hbm>>) target(%arg10 : memref<128xi32, #tpu.memory_space<vmem>>) target_semaphore(%arg17 : memref<!tpu.dma_semaphore, #tpu.memory_space<semaphore_mem>>)
      %barrier3A = arith.constant 0 : index
      tpu.barrier barrier_id(%barrier3A)
      %dma_start3A_17 = arith.constant 0 : i32
      %dma_start3A_18 = arith.constant 0 : i32
      %dma_start3A_19 = tpu.memref_slice %arg4[%dma_start3A_17, %dma_start3A_18] : memref<10000x128xf32, #tpu.memory_space<hbm>> -> memref<10000x128xf32, #tpu.memory_space<hbm>>
      tpu.enqueue_indirect_dma source(%dma_start3A_19 : memref<10000x128xf32, #tpu.memory_space<hbm>>) target(%arg11 : memref<128x128xf32, #tpu.memory_space<vmem>>) offsets(%arg7 : memref<128xi32, #tpu.memory_space<vmem>>) semaphore(%arg14 : memref<!tpu.dma_semaphore, #tpu.memory_space<semaphore_mem>>)
      %scan3A = arith.constant 0 : i32
      %scan3A_20 = arith.constant 0 : i32
      %scan3A_21 = arith.constant 0 : i32
      %scan3A_22 = arith.constant 0 : i32
      %scan3A_23 = arith.constant 157 : i32
      %scan3A_24 = arith.addi %scan3A_22, %scan3A_23 : i32
      %scan3A_25 = arith.constant 1 : i32
      scf.for %scan3A_32 = %scan3A_22 to %scan3A_24 step %scan3A_25  : i32 {
        %jit3A = arith.constant 2 : i32
        %eq3A_33 = arith.constant 0 : i32
        %eq3A_34 = arith.cmpi eq, %jit3A, %eq3A_33 : i32
        %jit3A_35 = arith.constant 1 : i32
        %select_n3A = arith.select %eq3A_34, %jit3A_35, %jit3A : i32
        %rem3A = arith.remsi %scan3A_32, %select_n3A : i32
        %ne3A = arith.constant 0 : i32
        %ne3A_36 = arith.cmpi ne, %rem3A, %ne3A : i32
        %lt3A = arith.constant 0 : i32
        %lt3A_37 = arith.cmpi slt, %rem3A, %lt3A : i32
        %lt3A_38 = arith.constant 0 : i32
        %lt3A_39 = arith.cmpi slt, %select_n3A, %lt3A_38 : i32
        %ne3A_40 = arith.xori %lt3A_37, %lt3A_39 : i1
        %and3A = arith.andi %ne3A_40, %ne3A_36 : i1
        %add3A = arith.addi %rem3A, %select_n3A : i32
        %select_n3A_41 = arith.select %and3A, %add3A, %rem3A : i32
        %eq3A_42 = arith.constant 0 : i32
        %eq3A_43 = arith.cmpi eq, %select_n3A_41, %eq3A_42 : i32
        %convert_element_type3A_44 = arith.extui %eq3A_43 : i1 to i32
        %cond3A_45 = arith.constant 0 : i32
        %cond3A_46 = arith.cmpi ne, %convert_element_type3A_44, %cond3A_45 : i32
        scf.if %cond3A_46 {
          %dma_wait3A = arith.constant 0 : i32
          %dma_wait3A_68 = arith.constant 0 : i32
          %dma_wait3A_69 = tpu.memref_slice %arg4[%dma_wait3A, %dma_wait3A_68] : memref<10000x128xf32, #tpu.memory_space<hbm>> -> memref<128x128xf32, #tpu.memory_space<hbm>>
          %dma_wait3A_70 = arith.constant 0 : i32
          %dma_wait3A_71 = arith.constant 0 : i32
          %dma_wait3A_72 = tpu.memref_slice %arg4[%dma_wait3A_70, %dma_wait3A_71] : memref<10000x128xf32, #tpu.memory_space<hbm>> -> memref<128x128xf32, #tpu.memory_space<hbm>>
          tpu.wait_dma2 semaphore(%arg14 : memref<!tpu.dma_semaphore, #tpu.memory_space<semaphore_mem>>) src(%dma_wait3A_72 : memref<128x128xf32, #tpu.memory_space<hbm>>) dst(%arg11 : memref<128x128xf32, #tpu.memory_space<vmem>>)
          %add3A_73 = arith.constant 1 : i32
          %add3A_74 = arith.addi %scan3A_32, %add3A_73 : i32
          %lt3A_75 = arith.constant 157 : i32
          %lt3A_76 = arith.cmpi slt, %add3A_74, %lt3A_75 : i32
          %convert_element_type3A_77 = arith.extui %lt3A_76 : i1 to i32
          %cond3A_78 = arith.constant 0 : i32
          %cond3A_79 = arith.cmpi ne, %convert_element_type3A_77, %cond3A_78 : i32
          scf.if %cond3A_79 {
            %dma_wait3A_87 = arith.constant 0 : i32
            %dma_wait3A_88 = tpu.memref_slice %arg2[%scan3A_20, %scan3A_21, %dma_wait3A_87] : memref<16x157x128xi32, #tpu.memory_space<hbm>> -> memref<1x1x128xi32, #tpu.memory_space<hbm>>
            %dma_wait3A_89 = tpu.memref_squeeze %dma_wait3A_88 : memref<1x1x128xi32, #tpu.memory_space<hbm>> -> memref<128xi32, #tpu.memory_space<hbm>>
            %dma_wait3A_90 = arith.constant 0 : i32
            %dma_wait3A_91 = tpu.memref_slice %arg2[%scan3A_20, %scan3A_21, %dma_wait3A_90] : memref<16x157x128xi32, #tpu.memory_space<hbm>> -> memref<1x1x128xi32, #tpu.memory_space<hbm>>
            %dma_wait3A_92 = tpu.memref_squeeze %dma_wait3A_91 : memref<1x1x128xi32, #tpu.memory_space<hbm>> -> memref<128xi32, #tpu.memory_space<hbm>>
            tpu.wait_dma2 semaphore(%arg17 : memref<!tpu.dma_semaphore, #tpu.memory_space<semaphore_mem>>) src(%dma_wait3A_92 : memref<128xi32, #tpu.memory_space<hbm>>) dst(%arg8 : memref<128xi32, #tpu.memory_space<vmem>>)
            %dma_wait3A_93 = arith.constant 0 : i32
            %dma_wait3A_94 = tpu.memref_slice %arg2[%scan3A_20, %scan3A_21, %dma_wait3A_93] : memref<16x157x128xi32, #tpu.memory_space<hbm>> -> memref<1x1x128xi32, #tpu.memory_space<hbm>>
            %dma_wait3A_95 = tpu.memref_squeeze %dma_wait3A_94 : memref<1x1x128xi32, #tpu.memory_space<hbm>> -> memref<128xi32, #tpu.memory_space<hbm>>
            %dma_wait3A_96 = arith.constant 0 : i32
            %dma_wait3A_97 = tpu.memref_slice %arg2[%scan3A_20, %scan3A_21, %dma_wait3A_96] : memref<16x157x128xi32, #tpu.memory_space<hbm>> -> memref<1x1x128xi32, #tpu.memory_space<hbm>>
            %dma_wait3A_98 = tpu.memref_squeeze %dma_wait3A_97 : memref<1x1x128xi32, #tpu.memory_space<hbm>> -> memref<128xi32, #tpu.memory_space<hbm>>
            tpu.wait_dma2 semaphore(%arg17 : memref<!tpu.dma_semaphore, #tpu.memory_space<semaphore_mem>>) src(%dma_wait3A_98 : memref<128xi32, #tpu.memory_space<hbm>>) dst(%arg10 : memref<128xi32, #tpu.memory_space<vmem>>)
            %dma_start3A_99 = arith.constant 0 : i32
            %dma_start3A_100 = arith.constant 0 : i32
            %dma_start3A_101 = tpu.memref_slice %arg4[%dma_start3A_99, %dma_start3A_100] : memref<10000x128xf32, #tpu.memory_space<hbm>> -> memref<10000x128xf32, #tpu.memory_space<hbm>>
            tpu.enqueue_indirect_dma source(%dma_start3A_101 : memref<10000x128xf32, #tpu.memory_space<hbm>>) target(%arg12 : memref<128x128xf32, #tpu.memory_space<vmem>>) offsets(%arg8 : memref<128xi32, #tpu.memory_space<vmem>>) semaphore(%arg15 : memref<!tpu.dma_semaphore, #tpu.memory_space<semaphore_mem>>)
          } else {
          }
          "tpu.region"() ({
            %run_scoped3A_87 = tpu.sem_alloc : memref<!tpu.dma_semaphore, #tpu.memory_space<semaphore_mem>>
            %dma_start3A_88 = arith.constant 0 : i32
            %dma_start3A_89 = arith.constant 0 : i32
            %dma_start3A_90 = tpu.memref_slice %arg13[%dma_start3A_88, %dma_start3A_89] : memref<10112x128xf32, #tpu.memory_space<vmem_shared>> -> memref<10112x128xf32, #tpu.memory_space<vmem_shared>>
            tpu.enqueue_indirect_dma source(%arg11 : memref<128x128xf32, #tpu.memory_space<vmem>>) target(%dma_start3A_90 : memref<10112x128xf32, #tpu.memory_space<vmem_shared>>) offsets(%arg9 : memref<128xi32, #tpu.memory_space<vmem>>) semaphore(%run_scoped3A_87 : memref<!tpu.dma_semaphore, #tpu.memory_space<semaphore_mem>>) {add = true}
            %dma_wait3A_91 = arith.constant 0 : i32
            %dma_wait3A_92 = arith.constant 0 : i32
            %dma_wait3A_93 = tpu.memref_slice %arg13[%dma_wait3A_91, %dma_wait3A_92] : memref<10112x128xf32, #tpu.memory_space<vmem_shared>> -> memref<10112x128xf32, #tpu.memory_space<vmem_shared>>
            tpu.wait_indirect_dma semaphore(%run_scoped3A_87 : memref<!tpu.dma_semaphore, #tpu.memory_space<semaphore_mem>>) src(%arg11 : memref<128x128xf32, #tpu.memory_space<vmem>>) dst(%dma_wait3A_93 : memref<10112x128xf32, #tpu.memory_space<vmem_shared>>)
            tpu.yield
          }) : () -> ()
          %add3A_80 = arith.constant 2 : i32
          %add3A_81 = arith.addi %scan3A_32, %add3A_80 : i32
          %lt3A_82 = arith.constant 157 : i32
          %lt3A_83 = arith.cmpi slt, %add3A_81, %lt3A_82 : i32
          %convert_element_type3A_84 = arith.extui %lt3A_83 : i1 to i32
          %cond3A_85 = arith.constant 0 : i32
          %cond3A_86 = arith.cmpi ne, %convert_element_type3A_84, %cond3A_85 : i32
          scf.if %cond3A_86 {
            %add3A_87 = arith.constant 2 : i32
            %add3A_88 = arith.addi %scan3A_32, %add3A_87 : i32
            %dma_start3A_89 = arith.constant 0 : i32
            %dma_start3A_90 = tpu.memref_slice %arg2[%arg1, %add3A_88, %dma_start3A_89] : memref<16x157x128xi32, #tpu.memory_space<hbm>> -> memref<1x1x128xi32, #tpu.memory_space<hbm>>
            %dma_start3A_91 = tpu.memref_squeeze %dma_start3A_90 : memref<1x1x128xi32, #tpu.memory_space<hbm>> -> memref<128xi32, #tpu.memory_space<hbm>>
            %dma_start3A_92 = arith.constant 0 : i32
            %dma_start3A_93 = tpu.memref_slice %arg2[%arg1, %add3A_88, %dma_start3A_92] : memref<16x157x128xi32, #tpu.memory_space<hbm>> -> memref<1x1x128xi32, #tpu.memory_space<hbm>>
            %dma_start3A_94 = tpu.memref_squeeze %dma_start3A_93 : memref<1x1x128xi32, #tpu.memory_space<hbm>> -> memref<128xi32, #tpu.memory_space<hbm>>
            tpu.enqueue_dma source(%dma_start3A_94 : memref<128xi32, #tpu.memory_space<hbm>>) target(%arg7 : memref<128xi32, #tpu.memory_space<vmem>>) target_semaphore(%arg16 : memref<!tpu.dma_semaphore, #tpu.memory_space<semaphore_mem>>)
            %add3A_95 = arith.constant 2 : i32
            %add3A_96 = arith.addi %scan3A_32, %add3A_95 : i32
            %dma_start3A_97 = arith.constant 0 : i32
            %dma_start3A_98 = tpu.memref_slice %arg3[%arg1, %add3A_96, %dma_start3A_97] : memref<16x157x128xi32, #tpu.memory_space<hbm>> -> memref<1x1x128xi32, #tpu.memory_space<hbm>>
            %dma_start3A_99 = tpu.memref_squeeze %dma_start3A_98 : memref<1x1x128xi32, #tpu.memory_space<hbm>> -> memref<128xi32, #tpu.memory_space<hbm>>
            %dma_start3A_100 = arith.constant 0 : i32
            %dma_start3A_101 = tpu.memref_slice %arg3[%arg1, %add3A_96, %dma_start3A_100] : memref<16x157x128xi32, #tpu.memory_space<hbm>> -> memref<1x1x128xi32, #tpu.memory_space<hbm>>
            %dma_start3A_102 = tpu.memref_squeeze %dma_start3A_101 : memref<1x1x128xi32, #tpu.memory_space<hbm>> -> memref<128xi32, #tpu.memory_space<hbm>>
            tpu.enqueue_dma source(%dma_start3A_102 : memref<128xi32, #tpu.memory_space<hbm>>) target(%arg9 : memref<128xi32, #tpu.memory_space<vmem>>) target_semaphore(%arg16 : memref<!tpu.dma_semaphore, #tpu.memory_space<semaphore_mem>>)
          } else {
          }
        } else {
        }
        %jit3A_47 = arith.constant 2 : i32
        %eq3A_48 = arith.constant 0 : i32
        %eq3A_49 = arith.cmpi eq, %jit3A_47, %eq3A_48 : i32
        %jit3A_50 = arith.constant 1 : i32
        %select_n3A_51 = arith.select %eq3A_49, %jit3A_50, %jit3A_47 : i32
        %rem3A_52 = arith.remsi %scan3A_32, %select_n3A_51 : i32
        %ne3A_53 = arith.constant 0 : i32
        %ne3A_54 = arith.cmpi ne, %rem3A_52, %ne3A_53 : i32
        %lt3A_55 = arith.constant 0 : i32
        %lt3A_56 = arith.cmpi slt, %rem3A_52, %lt3A_55 : i32
        %lt3A_57 = arith.constant 0 : i32
        %lt3A_58 = arith.cmpi slt, %select_n3A_51, %lt3A_57 : i32
        %ne3A_59 = arith.xori %lt3A_56, %lt3A_58 : i1
        %and3A_60 = arith.andi %ne3A_59, %ne3A_54 : i1
        %add3A_61 = arith.addi %rem3A_52, %select_n3A_51 : i32
        %select_n3A_62 = arith.select %and3A_60, %add3A_61, %rem3A_52 : i32
        %eq3A_63 = arith.constant 1 : i32
        %eq3A_64 = arith.cmpi eq, %select_n3A_62, %eq3A_63 : i32
        %convert_element_type3A_65 = arith.extui %eq3A_64 : i1 to i32
        %cond3A_66 = arith.constant 0 : i32
        %cond3A_67 = arith.cmpi ne, %convert_element_type3A_65, %cond3A_66 : i32
        scf.if %cond3A_67 {
          %dma_wait3A = arith.constant 0 : i32
          %dma_wait3A_68 = arith.constant 0 : i32
          %dma_wait3A_69 = tpu.memref_slice %arg4[%dma_wait3A, %dma_wait3A_68] : memref<10000x128xf32, #tpu.memory_space<hbm>> -> memref<128x128xf32, #tpu.memory_space<hbm>>
          %dma_wait3A_70 = arith.constant 0 : i32
          %dma_wait3A_71 = arith.constant 0 : i32
          %dma_wait3A_72 = tpu.memref_slice %arg4[%dma_wait3A_70, %dma_wait3A_71] : memref<10000x128xf32, #tpu.memory_space<hbm>> -> memref<128x128xf32, #tpu.memory_space<hbm>>
          tpu.wait_dma2 semaphore(%arg15 : memref<!tpu.dma_semaphore, #tpu.memory_space<semaphore_mem>>) src(%dma_wait3A_72 : memref<128x128xf32, #tpu.memory_space<hbm>>) dst(%arg12 : memref<128x128xf32, #tpu.memory_space<vmem>>)
          %add3A_73 = arith.constant 1 : i32
          %add3A_74 = arith.addi %scan3A_32, %add3A_73 : i32
          %lt3A_75 = arith.constant 157 : i32
          %lt3A_76 = arith.cmpi slt, %add3A_74, %lt3A_75 : i32
          %convert_element_type3A_77 = arith.extui %lt3A_76 : i1 to i32
          %cond3A_78 = arith.constant 0 : i32
          %cond3A_79 = arith.cmpi ne, %convert_element_type3A_77, %cond3A_78 : i32
          scf.if %cond3A_79 {
            %dma_wait3A_87 = arith.constant 0 : i32
            %dma_wait3A_88 = tpu.memref_slice %arg2[%scan3A_20, %scan3A_21, %dma_wait3A_87] : memref<16x157x128xi32, #tpu.memory_space<hbm>> -> memref<1x1x128xi32, #tpu.memory_space<hbm>>
            %dma_wait3A_89 = tpu.memref_squeeze %dma_wait3A_88 : memref<1x1x128xi32, #tpu.memory_space<hbm>> -> memref<128xi32, #tpu.memory_space<hbm>>
            %dma_wait3A_90 = arith.constant 0 : i32
            %dma_wait3A_91 = tpu.memref_slice %arg2[%scan3A_20, %scan3A_21, %dma_wait3A_90] : memref<16x157x128xi32, #tpu.memory_space<hbm>> -> memref<1x1x128xi32, #tpu.memory_space<hbm>>
            %dma_wait3A_92 = tpu.memref_squeeze %dma_wait3A_91 : memref<1x1x128xi32, #tpu.memory_space<hbm>> -> memref<128xi32, #tpu.memory_space<hbm>>
            tpu.wait_dma2 semaphore(%arg16 : memref<!tpu.dma_semaphore, #tpu.memory_space<semaphore_mem>>) src(%dma_wait3A_92 : memref<128xi32, #tpu.memory_space<hbm>>) dst(%arg7 : memref<128xi32, #tpu.memory_space<vmem>>)
            %dma_wait3A_93 = arith.constant 0 : i32
            %dma_wait3A_94 = tpu.memref_slice %arg2[%scan3A_20, %scan3A_21, %dma_wait3A_93] : memref<16x157x128xi32, #tpu.memory_space<hbm>> -> memref<1x1x128xi32, #tpu.memory_space<hbm>>
            %dma_wait3A_95 = tpu.memref_squeeze %dma_wait3A_94 : memref<1x1x128xi32, #tpu.memory_space<hbm>> -> memref<128xi32, #tpu.memory_space<hbm>>
            %dma_wait3A_96 = arith.constant 0 : i32
            %dma_wait3A_97 = tpu.memref_slice %arg2[%scan3A_20, %scan3A_21, %dma_wait3A_96] : memref<16x157x128xi32, #tpu.memory_space<hbm>> -> memref<1x1x128xi32, #tpu.memory_space<hbm>>
            %dma_wait3A_98 = tpu.memref_squeeze %dma_wait3A_97 : memref<1x1x128xi32, #tpu.memory_space<hbm>> -> memref<128xi32, #tpu.memory_space<hbm>>
            tpu.wait_dma2 semaphore(%arg16 : memref<!tpu.dma_semaphore, #tpu.memory_space<semaphore_mem>>) src(%dma_wait3A_98 : memref<128xi32, #tpu.memory_space<hbm>>) dst(%arg9 : memref<128xi32, #tpu.memory_space<vmem>>)
            %dma_start3A_99 = arith.constant 0 : i32
            %dma_start3A_100 = arith.constant 0 : i32
            %dma_start3A_101 = tpu.memref_slice %arg4[%dma_start3A_99, %dma_start3A_100] : memref<10000x128xf32, #tpu.memory_space<hbm>> -> memref<10000x128xf32, #tpu.memory_space<hbm>>
            tpu.enqueue_indirect_dma source(%dma_start3A_101 : memref<10000x128xf32, #tpu.memory_space<hbm>>) target(%arg11 : memref<128x128xf32, #tpu.memory_space<vmem>>) offsets(%arg7 : memref<128xi32, #tpu.memory_space<vmem>>) semaphore(%arg14 : memref<!tpu.dma_semaphore, #tpu.memory_space<semaphore_mem>>)
          } else {
          }
          "tpu.region"() ({
            %run_scoped3A_87 = tpu.sem_alloc : memref<!tpu.dma_semaphore, #tpu.memory_space<semaphore_mem>>
            %dma_start3A_88 = arith.constant 0 : i32
            %dma_start3A_89 = arith.constant 0 : i32
            %dma_start3A_90 = tpu.memref_slice %arg13[%dma_start3A_88, %dma_start3A_89] : memref<10112x128xf32, #tpu.memory_space<vmem_shared>> -> memref<10112x128xf32, #tpu.memory_space<vmem_shared>>
            tpu.enqueue_indirect_dma source(%arg12 : memref<128x128xf32, #tpu.memory_space<vmem>>) target(%dma_start3A_90 : memref<10112x128xf32, #tpu.memory_space<vmem_shared>>) offsets(%arg10 : memref<128xi32, #tpu.memory_space<vmem>>) semaphore(%run_scoped3A_87 : memref<!tpu.dma_semaphore, #tpu.memory_space<semaphore_mem>>) {add = true}
            %dma_wait3A_91 = arith.constant 0 : i32
            %dma_wait3A_92 = arith.constant 0 : i32
            %dma_wait3A_93 = tpu.memref_slice %arg13[%dma_wait3A_91, %dma_wait3A_92] : memref<10112x128xf32, #tpu.memory_space<vmem_shared>> -> memref<10112x128xf32, #tpu.memory_space<vmem_shared>>
            tpu.wait_indirect_dma semaphore(%run_scoped3A_87 : memref<!tpu.dma_semaphore, #tpu.memory_space<semaphore_mem>>) src(%arg12 : memref<128x128xf32, #tpu.memory_space<vmem>>) dst(%dma_wait3A_93 : memref<10112x128xf32, #tpu.memory_space<vmem_shared>>)
            tpu.yield
          }) : () -> ()
          %add3A_80 = arith.constant 2 : i32
          %add3A_81 = arith.addi %scan3A_32, %add3A_80 : i32
          %lt3A_82 = arith.constant 157 : i32
          %lt3A_83 = arith.cmpi slt, %add3A_81, %lt3A_82 : i32
          %convert_element_type3A_84 = arith.extui %lt3A_83 : i1 to i32
          %cond3A_85 = arith.constant 0 : i32
          %cond3A_86 = arith.cmpi ne, %convert_element_type3A_84, %cond3A_85 : i32
          scf.if %cond3A_86 {
            %add3A_87 = arith.constant 2 : i32
            %add3A_88 = arith.addi %scan3A_32, %add3A_87 : i32
            %dma_start3A_89 = arith.constant 0 : i32
            %dma_start3A_90 = tpu.memref_slice %arg2[%arg1, %add3A_88, %dma_start3A_89] : memref<16x157x128xi32, #tpu.memory_space<hbm>> -> memref<1x1x128xi32, #tpu.memory_space<hbm>>
            %dma_start3A_91 = tpu.memref_squeeze %dma_start3A_90 : memref<1x1x128xi32, #tpu.memory_space<hbm>> -> memref<128xi32, #tpu.memory_space<hbm>>
            %dma_start3A_92 = arith.constant 0 : i32
            %dma_start3A_93 = tpu.memref_slice %arg2[%arg1, %add3A_88, %dma_start3A_92] : memref<16x157x128xi32, #tpu.memory_space<hbm>> -> memref<1x1x128xi32, #tpu.memory_space<hbm>>
            %dma_start3A_94 = tpu.memref_squeeze %dma_start3A_93 : memref<1x1x128xi32, #tpu.memory_space<hbm>> -> memref<128xi32, #tpu.memory_space<hbm>>
            tpu.enqueue_dma source(%dma_start3A_94 : memref<128xi32, #tpu.memory_space<hbm>>) target(%arg8 : memref<128xi32, #tpu.memory_space<vmem>>) target_semaphore(%arg17 : memref<!tpu.dma_semaphore, #tpu.memory_space<semaphore_mem>>)
            %add3A_95 = arith.constant 2 : i32
            %add3A_96 = arith.addi %scan3A_32, %add3A_95 : i32
            %dma_start3A_97 = arith.constant 0 : i32
            %dma_start3A_98 = tpu.memref_slice %arg3[%arg1, %add3A_96, %dma_start3A_97] : memref<16x157x128xi32, #tpu.memory_space<hbm>> -> memref<1x1x128xi32, #tpu.memory_space<hbm>>
            %dma_start3A_99 = tpu.memref_squeeze %dma_start3A_98 : memref<1x1x128xi32, #tpu.memory_space<hbm>> -> memref<128xi32, #tpu.memory_space<hbm>>
            %dma_start3A_100 = arith.constant 0 : i32
            %dma_start3A_101 = tpu.memref_slice %arg3[%arg1, %add3A_96, %dma_start3A_100] : memref<16x157x128xi32, #tpu.memory_space<hbm>> -> memref<1x1x128xi32, #tpu.memory_space<hbm>>
            %dma_start3A_102 = tpu.memref_squeeze %dma_start3A_101 : memref<1x1x128xi32, #tpu.memory_space<hbm>> -> memref<128xi32, #tpu.memory_space<hbm>>
            tpu.enqueue_dma source(%dma_start3A_102 : memref<128xi32, #tpu.memory_space<hbm>>) target(%arg10 : memref<128xi32, #tpu.memory_space<vmem>>) target_semaphore(%arg17 : memref<!tpu.dma_semaphore, #tpu.memory_space<semaphore_mem>>)
          } else {
          }
        } else {
        }
      }
      %scan3A_26 = arith.constant 157 : i32
      %barrier3A_27 = arith.constant 0 : index
      tpu.barrier barrier_id(%barrier3A_27)
      %mul3A_28 = arith.constant 632 : i32
      %mul3A_29 = arith.muli %arg1, %mul3A_28 : i32
      %mul3A_30 = arith.constant 632 : i32
      %mul3A_31 = arith.muli %arg1, %mul3A_30 : i32
      "tpu.region"() ({
        %run_scoped3A_32 = tpu.sem_alloc : memref<!tpu.dma_semaphore, #tpu.memory_space<semaphore_mem>>
        %dma_start3A_33 = arith.constant 0 : i32
        %dma_start3A_34 = tpu.memref_slice %arg6[%mul3A_31, %dma_start3A_33] : memref<10112x128xf32, #tpu.memory_space<hbm>> -> memref<632x128xf32, #tpu.memory_space<hbm>>
        %dma_start3A_35 = arith.constant 0 : i32
        %dma_start3A_36 = tpu.memref_slice %arg13[%mul3A_29, %dma_start3A_35] : memref<10112x128xf32, #tpu.memory_space<vmem_shared>> -> memref<632x128xf32, #tpu.memory_space<vmem_shared>>
        tpu.enqueue_dma source(%dma_start3A_36 : memref<632x128xf32, #tpu.memory_space<vmem_shared>>) target(%dma_start3A_34 : memref<632x128xf32, #tpu.memory_space<hbm>>) target_semaphore(%run_scoped3A_32 : memref<!tpu.dma_semaphore, #tpu.memory_space<semaphore_mem>>)
        %dma_wait3A = arith.constant 0 : i32
        %dma_wait3A_37 = tpu.memref_slice %arg6[%mul3A_31, %dma_wait3A] : memref<10112x128xf32, #tpu.memory_space<hbm>> -> memref<632x128xf32, #tpu.memory_space<hbm>>
        %dma_wait3A_38 = arith.constant 0 : i32
        %dma_wait3A_39 = tpu.memref_slice %arg13[%mul3A_29, %dma_wait3A_38] : memref<10112x128xf32, #tpu.memory_space<vmem_shared>> -> memref<632x128xf32, #tpu.memory_space<vmem_shared>>
        tpu.wait_dma2 semaphore(%run_scoped3A_32 : memref<!tpu.dma_semaphore, #tpu.memory_space<semaphore_mem>>) src(%dma_wait3A_39 : memref<632x128xf32, #tpu.memory_space<vmem_shared>>) dst(%dma_wait3A_37 : memref<632x128xf32, #tpu.memory_space<hbm>>)
        tpu.yield
      }) : () -> ()
    } else {
    }
    return
  }
}

module attributes {stable_mosaic.version = 14 : i64} {
  func.func @_mm_body(%arg0: i32, %arg1: memref<2000x128xf32, #tpu.memory_space<vmem>>, %arg2: memref<128x128xf32, #tpu.memory_space<vmem>>, %arg3: memref<2000x1xf32, #tpu.memory_space<vmem>>, %arg4: memref<2000x1xf32, #tpu.memory_space<vmem>>, %arg5: memref<2000x128xf32, #tpu.memory_space<vmem>>) attributes {dimension_semantics = [#tpu.dimension_semantics<arbitrary>], iteration_bounds = array<i64: 5>, scalar_prefetch = 0 : i64, scratch_operands = 0 : i64, tpu.core_type = #tpu.core_type<tc>, window_params = [{transform_indices = @transform_0, window_bounds = array<i64: 2000, 128>}, {pipeline_mode = #tpu.pipeline_mode<synchronous>, transform_indices = @transform_1, window_bounds = array<i64: 128, 128>}, {transform_indices = @transform_2, window_bounds = array<i64: 2000, 1>}, {transform_indices = @transform_3, window_bounds = array<i64: 2000, 1>}, {transform_indices = @transform_4, window_bounds = array<i64: 2000, 128>}]} {
    %get3A = arith.constant 0 : index
    %get3A_0 = arith.constant 0 : index
    %get3A_1 = vector.load %arg3[%get3A, %get3A_0] : memref<2000x1xf32, #tpu.memory_space<vmem>>, vector<2000x1xf32>
    %get3A_2 = arith.constant 0 : index
    %get3A_3 = arith.constant 0 : index
    %get3A_4 = vector.load %arg4[%get3A_2, %get3A_3] : memref<2000x1xf32, #tpu.memory_space<vmem>>, vector<2000x1xf32>
    %add3A = arith.addf %get3A_1, %get3A_4 : vector<2000x1xf32>
    %add3A_5 = arith.constant 1.000000e+00 : f32
    %add3A_6 = vector.broadcast %add3A_5 : f32 to vector<2000x1xf32>
    %add3A_7 = arith.addf %add3A, %add3A_6 : vector<2000x1xf32>
    %rsqrt3A = math.rsqrt %add3A_7 : vector<2000x1xf32>
    %get3A_8 = arith.constant 0 : index
    %get3A_9 = arith.constant 0 : index
    %get3A_10 = vector.load %arg1[%get3A_8, %get3A_9] : memref<2000x128xf32, #tpu.memory_space<vmem>>, vector<2000x128xf32>
    %get3A_11 = arith.constant 0 : index
    %get3A_12 = arith.constant 0 : index
    %get3A_13 = vector.load %arg2[%get3A_11, %get3A_12] : memref<128x128xf32, #tpu.memory_space<vmem>>, vector<128x128xf32>
    %dot_general3A = arith.constant dense<0.000000e+00> : vector<2000x128xf32>
    %dot_general3A_14 = tpu.matmul %get3A_10, %get3A_13, %dot_general3A {dimension_numbers = #tpu.dot_dimension_numbers<[1], [0], [0], [1], [0, 0, 1, 1], [], []>, transpose_lhs_hint = false} : vector<2000x128xf32>, vector<128x128xf32>, vector<2000x128xf32> -> vector<2000x128xf32>
    %mul3A = vector.broadcast %rsqrt3A : vector<2000x1xf32> to vector<2000x128xf32>
    %mul3A_15 = arith.mulf %dot_general3A_14, %mul3A : vector<2000x128xf32>
    %swap3A = arith.constant 0 : index
    %swap3A_16 = arith.constant 0 : index
    %swap3A_17 = vector.load %arg5[%swap3A, %swap3A_16] : memref<2000x128xf32, #tpu.memory_space<vmem>>, vector<2000x128xf32>
    tpu.vector_store %arg5[%swap3A, %swap3A_16], %mul3A_15 {strides = array<i32>} : memref<2000x128xf32, #tpu.memory_space<vmem>>, vector<2000x128xf32>,
    return
  }
  func.func @transform_0(%arg0: i32) -> (i32, i32) {
    %c0_i32 = arith.constant 0 : i32
    %c0_i32_0 = arith.constant 0 : i32
    return %arg0, %c0_i32 : i32, i32
  }
  func.func @transform_1(%arg0: i32) -> (i32, i32) {
    %c0_i32 = arith.constant 0 : i32
    %c0_i32_0 = arith.constant 0 : i32
    %c0_i32_1 = arith.constant 0 : i32
    return %c0_i32, %c0_i32_0 : i32, i32
  }
  func.func @transform_2(%arg0: i32) -> (i32, i32) {
    %c0_i32 = arith.constant 0 : i32
    %c0_i32_0 = arith.constant 0 : i32
    return %arg0, %c0_i32 : i32, i32
  }
  func.func @transform_3(%arg0: i32) -> (i32, i32) {
    %c0_i32 = arith.constant 0 : i32
    %c0_i32_0 = arith.constant 0 : i32
    return %arg0, %c0_i32 : i32, i32
  }
  func.func @transform_4(%arg0: i32) -> (i32, i32) {
    %c0_i32 = arith.constant 0 : i32
    %c0_i32_0 = arith.constant 0 : i32
    return %arg0, %c0_i32 : i32, i32
  }
}

module attributes {stable_mosaic.version = 14 : i64} {
  func.func @_combine_mm_body(%arg0: i32, %arg1: memref<2000x128xf32, #tpu.memory_space<vmem>>, %arg2: memref<2000x128xf32, #tpu.memory_space<vmem>>, %arg3: memref<2000x1xf32, #tpu.memory_space<vmem>>, %arg4: memref<2000x1xf32, #tpu.memory_space<vmem>>, %arg5: memref<1x128xf32, #tpu.memory_space<vmem>>, %arg6: memref<1x128xf32, #tpu.memory_space<vmem>>, %arg7: memref<1x128xf32, #tpu.memory_space<vmem>>, %arg8: memref<128x128xf32, #tpu.memory_space<vmem>>, %arg9: memref<2000x128xf32, #tpu.memory_space<vmem>>) attributes {dimension_semantics = [#tpu.dimension_semantics<arbitrary>], iteration_bounds = array<i64: 5>, scalar_prefetch = 0 : i64, scratch_operands = 0 : i64, tpu.core_type = #tpu.core_type<tc>, window_params = [{transform_indices = @transform_0, window_bounds = array<i64: 2000, 128>}, {transform_indices = @transform_1, window_bounds = array<i64: 2000, 128>}, {transform_indices = @transform_2, window_bounds = array<i64: 2000, 1>}, {transform_indices = @transform_3, window_bounds = array<i64: 2000, 1>}, {pipeline_mode = #tpu.pipeline_mode<synchronous>, transform_indices = @transform_4, window_bounds = array<i64: 1, 128>}, {pipeline_mode = #tpu.pipeline_mode<synchronous>, transform_indices = @transform_5, window_bounds = array<i64: 1, 128>}, {pipeline_mode = #tpu.pipeline_mode<synchronous>, transform_indices = @transform_6, window_bounds = array<i64: 1, 128>}, {pipeline_mode = #tpu.pipeline_mode<synchronous>, transform_indices = @transform_7, window_bounds = array<i64: 128, 128>}, {transform_indices = @transform_8, window_bounds = array<i64: 2000, 128>}]} {
    %get3A = arith.constant 0 : index
    %get3A_0 = arith.constant 0 : index
    %get3A_1 = vector.load %arg3[%get3A, %get3A_0] : memref<2000x1xf32, #tpu.memory_space<vmem>>, vector<2000x1xf32>
    %get3A_2 = arith.constant 0 : index
    %get3A_3 = arith.constant 0 : index
    %get3A_4 = vector.load %arg4[%get3A_2, %get3A_3] : memref<2000x1xf32, #tpu.memory_space<vmem>>, vector<2000x1xf32>
    %add3A = arith.addf %get3A_1, %get3A_4 : vector<2000x1xf32>
    %add3A_5 = arith.constant 1.000000e+00 : f32
    %add3A_6 = vector.broadcast %add3A_5 : f32 to vector<2000x1xf32>
    %add3A_7 = arith.addf %add3A, %add3A_6 : vector<2000x1xf32>
    %rsqrt3A = math.rsqrt %add3A_7 : vector<2000x1xf32>
    %get3A_8 = arith.constant 0 : index
    %get3A_9 = arith.constant 0 : index
    %get3A_10 = vector.load %arg1[%get3A_8, %get3A_9] : memref<2000x128xf32, #tpu.memory_space<vmem>>, vector<2000x128xf32>
    %get3A_11 = arith.constant 0 : index
    %get3A_12 = arith.constant 0 : index
    %get3A_13 = vector.load %arg2[%get3A_11, %get3A_12] : memref<2000x128xf32, #tpu.memory_space<vmem>>, vector<2000x128xf32>
    %add3A_14 = arith.addf %get3A_10, %get3A_13 : vector<2000x128xf32>
    %mul3A = vector.broadcast %rsqrt3A : vector<2000x1xf32> to vector<2000x128xf32>
    %mul3A_15 = arith.mulf %add3A_14, %mul3A : vector<2000x128xf32>
    %get3A_16 = arith.constant 0 : index
    %get3A_17 = arith.constant 0 : index
    %get3A_18 = vector.load %arg5[%get3A_16, %get3A_17] : memref<1x128xf32, #tpu.memory_space<vmem>>, vector<1x128xf32>
    %add3A_19 = vector.broadcast %get3A_18 : vector<1x128xf32> to vector<2000x128xf32>
    %add3A_20 = arith.addf %mul3A_15, %add3A_19 : vector<2000x128xf32>
    %tanh3A = math.tanh %add3A_20 : vector<2000x128xf32>
    %get3A_21 = arith.constant 0 : index
    %get3A_22 = arith.constant 0 : index
    %get3A_23 = vector.load %arg6[%get3A_21, %get3A_22] : memref<1x128xf32, #tpu.memory_space<vmem>>, vector<1x128xf32>
    %get3A_24 = arith.constant 0 : index
    %get3A_25 = arith.constant 0 : index
    %get3A_26 = vector.load %arg7[%get3A_24, %get3A_25] : memref<1x128xf32, #tpu.memory_space<vmem>>, vector<1x128xf32>
    %reduce_sum3A = arith.constant dense<0.000000e+00> : vector<2000xf32>
    %reduce_sum3A_27 = vector.multi_reduction <add>, %tanh3A, %reduce_sum3A [1] : vector<2000x128xf32> to vector<2000xf32>
    %broadcast_in_dim3A = vector.shape_cast %reduce_sum3A_27 : vector<2000xf32> to vector<2000x1xf32>
    %div3A = arith.constant 1.280000e+02 : f32
    %div3A_28 = vector.broadcast %div3A : f32 to vector<2000x1xf32>
    %div3A_29 = arith.divf %broadcast_in_dim3A, %div3A_28 : vector<2000x1xf32>
    %sub3A = vector.broadcast %div3A_29 : vector<2000x1xf32> to vector<2000x128xf32>
    %sub3A_30 = arith.subf %tanh3A, %sub3A : vector<2000x128xf32>
    %mul3A_31 = arith.mulf %sub3A_30, %sub3A_30 : vector<2000x128xf32>
    %reduce_sum3A_32 = arith.constant dense<0.000000e+00> : vector<2000xf32>
    %reduce_sum3A_33 = vector.multi_reduction <add>, %mul3A_31, %reduce_sum3A_32 [1] : vector<2000x128xf32> to vector<2000xf32>
    %broadcast_in_dim3A_34 = vector.shape_cast %reduce_sum3A_33 : vector<2000xf32> to vector<2000x1xf32>
    %div3A_35 = arith.constant 1.280000e+02 : f32
    %div3A_36 = vector.broadcast %div3A_35 : f32 to vector<2000x1xf32>
    %div3A_37 = arith.divf %broadcast_in_dim3A_34, %div3A_36 : vector<2000x1xf32>
    %add3A_38 = arith.constant 9.99999974E-6 : f32
    %add3A_39 = vector.broadcast %add3A_38 : f32 to vector<2000x1xf32>
    %add3A_40 = arith.addf %div3A_37, %add3A_39 : vector<2000x1xf32>
    %rsqrt3A_41 = math.rsqrt %add3A_40 : vector<2000x1xf32>
    %mul3A_42 = vector.broadcast %rsqrt3A_41 : vector<2000x1xf32> to vector<2000x128xf32>
    %mul3A_43 = arith.mulf %sub3A_30, %mul3A_42 : vector<2000x128xf32>
    %mul3A_44 = vector.broadcast %get3A_23 : vector<1x128xf32> to vector<2000x128xf32>
    %mul3A_45 = arith.mulf %mul3A_43, %mul3A_44 : vector<2000x128xf32>
    %add3A_46 = vector.broadcast %get3A_26 : vector<1x128xf32> to vector<2000x128xf32>
    %add3A_47 = arith.addf %mul3A_45, %add3A_46 : vector<2000x128xf32>
    %get3A_48 = arith.constant 0 : index
    %get3A_49 = arith.constant 0 : index
    %get3A_50 = vector.load %arg8[%get3A_48, %get3A_49] : memref<128x128xf32, #tpu.memory_space<vmem>>, vector<128x128xf32>
    %dot_general3A = arith.constant dense<0.000000e+00> : vector<2000x128xf32>
    %dot_general3A_51 = tpu.matmul %add3A_47, %get3A_50, %dot_general3A {dimension_numbers = #tpu.dot_dimension_numbers<[1], [0], [0], [1], [0, 0, 1, 1], [], []>, transpose_lhs_hint = false} : vector<2000x128xf32>, vector<128x128xf32>, vector<2000x128xf32> -> vector<2000x128xf32>
    %mul3A_52 = vector.broadcast %rsqrt3A : vector<2000x1xf32> to vector<2000x128xf32>
    %mul3A_53 = arith.mulf %dot_general3A_51, %mul3A_52 : vector<2000x128xf32>
    %swap3A = arith.constant 0 : index
    %swap3A_54 = arith.constant 0 : index
    %swap3A_55 = vector.load %arg9[%swap3A, %swap3A_54] : memref<2000x128xf32, #tpu.memory_space<vmem>>, vector<2000x128xf32>
    tpu.vector_store %arg9[%swap3A, %swap3A_54], %mul3A_53 {strides = array<i32>} : memref<2000x128xf32, #tpu.memory_space<vmem>>, vector<2000x128xf32>,
    return
  }
  func.func @transform_0(%arg0: i32) -> (i32, i32) {
    %c0_i32 = arith.constant 0 : i32
    %c0_i32_0 = arith.constant 0 : i32
    return %arg0, %c0_i32 : i32, i32
  }
  func.func @transform_1(%arg0: i32) -> (i32, i32) {
    %c0_i32 = arith.constant 0 : i32
    %c0_i32_0 = arith.constant 0 : i32
    return %arg0, %c0_i32 : i32, i32
  }
  func.func @transform_2(%arg0: i32) -> (i32, i32) {
    %c0_i32 = arith.constant 0 : i32
    %c0_i32_0 = arith.constant 0 : i32
    return %arg0, %c0_i32 : i32, i32
  }
  func.func @transform_3(%arg0: i32) -> (i32, i32) {
    %c0_i32 = arith.constant 0 : i32
    %c0_i32_0 = arith.constant 0 : i32
    return %arg0, %c0_i32 : i32, i32
  }
  func.func @transform_4(%arg0: i32) -> (i32, i32) {
    %c0_i32 = arith.constant 0 : i32
    %c0_i32_0 = arith.constant 0 : i32
    %c0_i32_1 = arith.constant 0 : i32
    return %c0_i32, %c0_i32_0 : i32, i32
  }
  func.func @transform_5(%arg0: i32) -> (i32, i32) {
    %c0_i32 = arith.constant 0 : i32
    %c0_i32_0 = arith.constant 0 : i32
    %c0_i32_1 = arith.constant 0 : i32
    return %c0_i32, %c0_i32_0 : i32, i32
  }
  func.func @transform_6(%arg0: i32) -> (i32, i32) {
    %c0_i32 = arith.constant 0 : i32
    %c0_i32_0 = arith.constant 0 : i32
    %c0_i32_1 = arith.constant 0 : i32
    return %c0_i32, %c0_i32_0 : i32, i32
  }
  func.func @transform_7(%arg0: i32) -> (i32, i32) {
    %c0_i32 = arith.constant 0 : i32
    %c0_i32_0 = arith.constant 0 : i32
    %c0_i32_1 = arith.constant 0 : i32
    return %c0_i32, %c0_i32_0 : i32, i32
  }
  func.func @transform_8(%arg0: i32) -> (i32, i32) {
    %c0_i32 = arith.constant 0 : i32
    %c0_i32_0 = arith.constant 0 : i32
    return %arg0, %c0_i32 : i32, i32
  }
}

module attributes {stable_mosaic.version = 14 : i64} {
  func.func @_combine_body(%arg0: i32, %arg1: memref<2000x128xf32, #tpu.memory_space<vmem>>, %arg2: memref<2000x128xf32, #tpu.memory_space<vmem>>, %arg3: memref<2000x1xf32, #tpu.memory_space<vmem>>, %arg4: memref<2000x1xf32, #tpu.memory_space<vmem>>, %arg5: memref<1x128xf32, #tpu.memory_space<vmem>>, %arg6: memref<1x128xf32, #tpu.memory_space<vmem>>, %arg7: memref<1x128xf32, #tpu.memory_space<vmem>>, %arg8: memref<2000x128xf32, #tpu.memory_space<vmem>>) attributes {dimension_semantics = [#tpu.dimension_semantics<arbitrary>], iteration_bounds = array<i64: 5>, scalar_prefetch = 0 : i64, scratch_operands = 0 : i64, tpu.core_type = #tpu.core_type<tc>, window_params = [{transform_indices = @transform_0, window_bounds = array<i64: 2000, 128>}, {transform_indices = @transform_1, window_bounds = array<i64: 2000, 128>}, {transform_indices = @transform_2, window_bounds = array<i64: 2000, 1>}, {transform_indices = @transform_3, window_bounds = array<i64: 2000, 1>}, {pipeline_mode = #tpu.pipeline_mode<synchronous>, transform_indices = @transform_4, window_bounds = array<i64: 1, 128>}, {pipeline_mode = #tpu.pipeline_mode<synchronous>, transform_indices = @transform_5, window_bounds = array<i64: 1, 128>}, {pipeline_mode = #tpu.pipeline_mode<synchronous>, transform_indices = @transform_6, window_bounds = array<i64: 1, 128>}, {transform_indices = @transform_7, window_bounds = array<i64: 2000, 128>}]} {
    %get3A = arith.constant 0 : index
    %get3A_0 = arith.constant 0 : index
    %get3A_1 = vector.load %arg3[%get3A, %get3A_0] : memref<2000x1xf32, #tpu.memory_space<vmem>>, vector<2000x1xf32>
    %get3A_2 = arith.constant 0 : index
    %get3A_3 = arith.constant 0 : index
    %get3A_4 = vector.load %arg4[%get3A_2, %get3A_3] : memref<2000x1xf32, #tpu.memory_space<vmem>>, vector<2000x1xf32>
    %add3A = arith.addf %get3A_1, %get3A_4 : vector<2000x1xf32>
    %add3A_5 = arith.constant 1.000000e+00 : f32
    %add3A_6 = vector.broadcast %add3A_5 : f32 to vector<2000x1xf32>
    %add3A_7 = arith.addf %add3A, %add3A_6 : vector<2000x1xf32>
    %rsqrt3A = math.rsqrt %add3A_7 : vector<2000x1xf32>
    %get3A_8 = arith.constant 0 : index
    %get3A_9 = arith.constant 0 : index
    %get3A_10 = vector.load %arg1[%get3A_8, %get3A_9] : memref<2000x128xf32, #tpu.memory_space<vmem>>, vector<2000x128xf32>
    %get3A_11 = arith.constant 0 : index
    %get3A_12 = arith.constant 0 : index
    %get3A_13 = vector.load %arg2[%get3A_11, %get3A_12] : memref<2000x128xf32, #tpu.memory_space<vmem>>, vector<2000x128xf32>
    %add3A_14 = arith.addf %get3A_10, %get3A_13 : vector<2000x128xf32>
    %mul3A = vector.broadcast %rsqrt3A : vector<2000x1xf32> to vector<2000x128xf32>
    %mul3A_15 = arith.mulf %add3A_14, %mul3A : vector<2000x128xf32>
    %get3A_16 = arith.constant 0 : index
    %get3A_17 = arith.constant 0 : index
    %get3A_18 = vector.load %arg5[%get3A_16, %get3A_17] : memref<1x128xf32, #tpu.memory_space<vmem>>, vector<1x128xf32>
    %add3A_19 = vector.broadcast %get3A_18 : vector<1x128xf32> to vector<2000x128xf32>
    %add3A_20 = arith.addf %mul3A_15, %add3A_19 : vector<2000x128xf32>
    %tanh3A = math.tanh %add3A_20 : vector<2000x128xf32>
    %get3A_21 = arith.constant 0 : index
    %get3A_22 = arith.constant 0 : index
    %get3A_23 = vector.load %arg6[%get3A_21, %get3A_22] : memref<1x128xf32, #tpu.memory_space<vmem>>, vector<1x128xf32>
    %get3A_24 = arith.constant 0 : index
    %get3A_25 = arith.constant 0 : index
    %get3A_26 = vector.load %arg7[%get3A_24, %get3A_25] : memref<1x128xf32, #tpu.memory_space<vmem>>, vector<1x128xf32>
    %reduce_sum3A = arith.constant dense<0.000000e+00> : vector<2000xf32>
    %reduce_sum3A_27 = vector.multi_reduction <add>, %tanh3A, %reduce_sum3A [1] : vector<2000x128xf32> to vector<2000xf32>
    %broadcast_in_dim3A = vector.shape_cast %reduce_sum3A_27 : vector<2000xf32> to vector<2000x1xf32>
    %div3A = arith.constant 1.280000e+02 : f32
    %div3A_28 = vector.broadcast %div3A : f32 to vector<2000x1xf32>
    %div3A_29 = arith.divf %broadcast_in_dim3A, %div3A_28 : vector<2000x1xf32>
    %sub3A = vector.broadcast %div3A_29 : vector<2000x1xf32> to vector<2000x128xf32>
    %sub3A_30 = arith.subf %tanh3A, %sub3A : vector<2000x128xf32>
    %mul3A_31 = arith.mulf %sub3A_30, %sub3A_30 : vector<2000x128xf32>
    %reduce_sum3A_32 = arith.constant dense<0.000000e+00> : vector<2000xf32>
    %reduce_sum3A_33 = vector.multi_reduction <add>, %mul3A_31, %reduce_sum3A_32 [1] : vector<2000x128xf32> to vector<2000xf32>
    %broadcast_in_dim3A_34 = vector.shape_cast %reduce_sum3A_33 : vector<2000xf32> to vector<2000x1xf32>
    %div3A_35 = arith.constant 1.280000e+02 : f32
    %div3A_36 = vector.broadcast %div3A_35 : f32 to vector<2000x1xf32>
    %div3A_37 = arith.divf %broadcast_in_dim3A_34, %div3A_36 : vector<2000x1xf32>
    %add3A_38 = arith.constant 9.99999974E-6 : f32
    %add3A_39 = vector.broadcast %add3A_38 : f32 to vector<2000x1xf32>
    %add3A_40 = arith.addf %div3A_37, %add3A_39 : vector<2000x1xf32>
    %rsqrt3A_41 = math.rsqrt %add3A_40 : vector<2000x1xf32>
    %mul3A_42 = vector.broadcast %rsqrt3A_41 : vector<2000x1xf32> to vector<2000x128xf32>
    %mul3A_43 = arith.mulf %sub3A_30, %mul3A_42 : vector<2000x128xf32>
    %mul3A_44 = vector.broadcast %get3A_23 : vector<1x128xf32> to vector<2000x128xf32>
    %mul3A_45 = arith.mulf %mul3A_43, %mul3A_44 : vector<2000x128xf32>
    %add3A_46 = vector.broadcast %get3A_26 : vector<1x128xf32> to vector<2000x128xf32>
    %add3A_47 = arith.addf %mul3A_45, %add3A_46 : vector<2000x128xf32>
    %swap3A = arith.constant 0 : index
    %swap3A_48 = arith.constant 0 : index
    %swap3A_49 = vector.load %arg8[%swap3A, %swap3A_48] : memref<2000x128xf32, #tpu.memory_space<vmem>>, vector<2000x128xf32>
    tpu.vector_store %arg8[%swap3A, %swap3A_48], %add3A_47 {strides = array<i32>} : memref<2000x128xf32, #tpu.memory_space<vmem>>, vector<2000x128xf32>,
    return
  }
  func.func @transform_0(%arg0: i32) -> (i32, i32) {
    %c0_i32 = arith.constant 0 : i32
    %c0_i32_0 = arith.constant 0 : i32
    return %arg0, %c0_i32 : i32, i32
  }
  func.func @transform_1(%arg0: i32) -> (i32, i32) {
    %c0_i32 = arith.constant 0 : i32
    %c0_i32_0 = arith.constant 0 : i32
    return %arg0, %c0_i32 : i32, i32
  }
  func.func @transform_2(%arg0: i32) -> (i32, i32) {
    %c0_i32 = arith.constant 0 : i32
    %c0_i32_0 = arith.constant 0 : i32
    return %arg0, %c0_i32 : i32, i32
  }
  func.func @transform_3(%arg0: i32) -> (i32, i32) {
    %c0_i32 = arith.constant 0 : i32
    %c0_i32_0 = arith.constant 0 : i32
    return %arg0, %c0_i32 : i32, i32
  }
  func.func @transform_4(%arg0: i32) -> (i32, i32) {
    %c0_i32 = arith.constant 0 : i32
    %c0_i32_0 = arith.constant 0 : i32
    %c0_i32_1 = arith.constant 0 : i32
    return %c0_i32, %c0_i32_0 : i32, i32
  }
  func.func @transform_5(%arg0: i32) -> (i32, i32) {
    %c0_i32 = arith.constant 0 : i32
    %c0_i32_0 = arith.constant 0 : i32
    %c0_i32_1 = arith.constant 0 : i32
    return %c0_i32, %c0_i32_0 : i32, i32
  }
  func.func @transform_6(%arg0: i32) -> (i32, i32) {
    %c0_i32 = arith.constant 0 : i32
    %c0_i32_0 = arith.constant 0 : i32
    %c0_i32_1 = arith.constant 0 : i32
    return %c0_i32, %c0_i32_0 : i32, i32
  }
  func.func @transform_7(%arg0: i32) -> (i32, i32) {
    %c0_i32 = arith.constant 0 : i32
    %c0_i32_0 = arith.constant 0 : i32
    return %arg0, %c0_i32 : i32, i32
  }
}

</mosaic_0001>

<sc_bundles>
// kernel: kernel.11.cloned.1.call-start
scs
__scs_entry_jumppad:
0x0: {  	(pc) =	sbr.rel $0x88, $3  }
0x1: {  	(tag) =	ssettag $0x0;
	lr =	simm.s32 $0x1  }
0x2: {  	[smem:$0x3F97] =	sst lr;
	_ =	strace $0xD0000000  }
0x3: {  	_ = 	snop  }
0x4: {  	_ = 	snop  }
0x5: {  	_ = 	snop  }
0x6: {  	_ = 	snop  }
0x7: {  	_ = 	snop  }
__scs_overlays_trampoline_lowered:
0x8: {  	[smem:$0x3FA6] =	sst s0  }
0x9: {  	[smem:$0x3FA7] =	sst s1  }
0xa: {  	[smem:$0x3FA8] =	sst s2  }
0xb: {  	[smem:$0x3FA9] =	sst s3  }
0xc: {  	[smem:$0x3FAA] =	sst s4  }
0xd: {  	[smem:$0x3FAB] =	sst s5  }
0xe: {  	[smem:$0x3FAC] =	sst s6  }
0xf: {  	[smem:$0x3FAD] =	sst s7  }
0x10: {  	[smem:$0x3FAE] =	sst s8  }
0x11: {  	[smem:$0x3FAF] =	sst s9;
	s0 =	simm.s32 @!p0 $0x0  }
0x12: {  	s1 =	sld [smem:$0x3F95];
	s0 =	simm.s32 @p0 $0x1  }
0x13: {  	[smem:$0x3FB0] =	sst s0;
	s0 =	simm.s32 @!p1 $0x0  }
0x14: {  	s2 =	sld [smem:$0x3F94];
	s0 =	simm.s32 @p1 $0x1  }
0x15: {  	[smem:$0x3FB1] =	sst s0;
	s0 =	simm.s32 @!p2 $0x0  }
0x16: {  	s3 =	sld [smem:$0x3FDB];
	s0 =	simm.s32 @p2 $0x1  }
0x17: {  	s4 =	simm.s32 $0x1BF5;
	[smem:$0x3FB3] =	sst s0  }
0x18: {  	s0 =	sld [smem:$0x3F96];
	_ =	swait.ge [sflag:s4], $0x0  }
0x19: {  	s7 =	sld [smem:$0x3F97]  }
0x1a: {  	s8 =	sadd.s32 $0xFFFFE003, lr  }
0x1b: {  	s9 =	sadd.s32 $0xFFFFFEF7, lr;
	s5 =	simm.s32 $0xFFFFFFFF;
	p2 =	slt.u32 s8, $0xFFFFF086  }
0x1c: {  	p1 =	slt.u32 s9, $0xF7A;
	s5 =	simm.s32 @!p2 $0x0  }
0x1d: {  	s5 =	simm.s32 @p1 $0x1;
	p0 =	seq.s32 s7, s2  }
0x1e: {  	s7 =	smul.u32 @!p0 $0xF7A, s2;
	p2 =	seq.s32 @!p0 s5, $0x0  }
0x1f: {  	s9 =	smul.u32 $0xF7A, s1;
	s8 =	simm.s32 @!p0 $0x1BF5;
	p2 =	por !p2, p0  }
0x20: {  	[sflag:s8] =	ssyncset.s32 @!p0 $0xFFFFF086;
	s6 =	sadd.s32 @!p0 s3, s7;
	s7 =	simm.s32 @!p0 $0x108  }
0x21: {  	s3 =	sadd.s32 s3, s9;
	s6 =	sadd.s32 @!p0 $0x88, s6;
	s7 =	simm.s32 @p2 $0x1082  }
0x22: {  	[simem:s7], [sflag:s8] =	dma.local @!p0 [hbm:s6], $0xF7A  }
0x23: {  	s9 =	sor.u32 $0xD0000000, s2;
	s6 =	simm.s32 $0x108;
	_ =	swait.ge @!p0 [sflag:s8], $0x0  }
0x24: {  	s3 =	sadd.s32 $0x88, s3;
	s6 =	simm.s32 @!p1 $0x1082;
	[sflag:s4] =	ssyncset.s32 $0xFFFFF086  }
0x25: {  	[simem:s6], [sflag:s4] =	dma.local [hbm:s3], $0xF7A  }
0x26: {  	[smem:$0x3F97] =	sst s1;
	(tag) =	ssettag s2;
	_ =	strace s9  }
0x27: {  	s1 =	sld [smem:$0x3FA7]  }
0x28: {  	s2 =	sld [smem:$0x3FA8]  }
0x29: {  	s4 =	sld [smem:$0x3FAA]  }
0x2a: {  	p0 =	seq.s32 s5, $0x0;
	s5 =	sld [smem:$0x3FAB]  }
0x2b: {  	s6 =	sld [smem:$0x3FAC]  }
0x2c: {  	s7 =	sld [smem:$0x3FAD]  }
0x2d: {  	s3 =	simm.s32 $0x108;
	s8 =	sld [smem:$0x3FAE]  }
0x2e: {  	s3 =	simm.s32 @!p0 $0x1082;
	s9 =	sld [smem:$0x3FAF]  }
0x2f: {  	lr =	sadd.s32 s0, s3;
	s0 =	sld [smem:$0x3FA6]  }
0x30: {  	s3 =	sld [smem:$0x3FA9]  }
0x31: {  	[smem:$0x3FB2] =	sst s10  }
0x32: {  	s10 =	sld [smem:$0x3FB0];
	_ =	sdelay $0x3  }
0x33: {  	p0 =	seq.s32 s10, $0x1;
	s10 =	sld [smem:$0x3FB2];
	_ =	sdelay $0x3  }
0x34: {  	[smem:$0x3FB2] =	sst s10  }
0x35: {  	s10 =	sld [smem:$0x3FB1];
	_ =	sdelay $0x3  }
0x36: {  	p1 =	seq.s32 s10, $0x1;
	s10 =	sld [smem:$0x3FB2];
	_ =	sdelay $0x3  }
0x37: {  	[smem:$0x3FB2] =	sst s10  }
0x38: {  	s10 =	sld [smem:$0x3FB3]  }
0x39: {  	_ = 	snop;
	(pc) =	sbr.ind lr, $3  }
0x3a: {  	_ = 	snop  }
0x3b: {  	_ = 	snop  }
0x3c: {  	p2 =	seq.s32 s10, $0x1;
	s10 =	sld [smem:$0x3FB2]  }
0x3d: {  	_ =	shalt  }
0x3e: {  	_ =	shalt  }
0x3f: {  	_ =	shalt  }
0x40: {  	_ =	shalt  }
0x41: {  	_ =	shalt  }
0x42: {  	_ =	shalt  }
0x43: {  	_ =	shalt  }
0x44: {  	_ =	shalt  }
0x45: {  	_ =	shalt  }
0x46: {  	_ =	shalt  }
0x47: {  	_ =	shalt  }
0x48: {  	_ =	shalt  }
0x49: {  	_ =	shalt  }
0x4a: {  	_ =	shalt  }
0x4b: {  	_ =	shalt  }
0x4c: {  	_ =	shalt  }
0x4d: {  	_ =	shalt  }
0x4e: {  	_ =	shalt  }
0x4f: {  	_ =	shalt  }
0x50: {  	_ =	shalt  }
0x51: {  	_ =	shalt  }
0x52: {  	_ =	shalt  }
0x53: {  	_ =	shalt  }
0x54: {  	_ =	shalt  }
0x55: {  	_ =	shalt  }
0x56: {  	_ =	shalt  }
0x57: {  	_ =	shalt  }
0x58: {  	_ =	shalt  }
0x59: {  	_ =	shalt  }
0x5a: {  	_ =	shalt  }
0x5b: {  	_ =	shalt  }
0x5c: {  	_ =	shalt  }
0x5d: {  	_ =	shalt  }
0x5e: {  	_ =	shalt  }
0x5f: {  	_ =	shalt  }
0x60: {  	_ =	shalt  }
0x61: {  	_ =	shalt  }
0x62: {  	_ =	shalt  }
0x63: {  	_ =	shalt  }
0x64: {  	_ =	shalt  }
0x65: {  	_ =	shalt  }
0x66: {  	_ =	shalt  }
0x67: {  	_ =	shalt  }
0x68: {  	_ =	shalt  }
0x69: {  	_ =	shalt  }
0x6a: {  	_ =	shalt  }
0x6b: {  	_ =	shalt  }
0x6c: {  	_ =	shalt  }
0x6d: {  	_ =	shalt  }
0x6e: {  	_ =	shalt  }
0x6f: {  	_ =	shalt  }
0x70: {  	_ =	shalt  }
0x71: {  	_ =	shalt  }
0x72: {  	_ =	shalt  }
0x73: {  	_ =	shalt  }
0x74: {  	_ =	shalt  }
0x75: {  	_ =	shalt  }
0x76: {  	_ =	shalt  }
0x77: {  	_ =	shalt  }
0x78: {  	_ =	shalt  }
0x79: {  	_ =	shalt  }
0x7a: {  	_ =	shalt  }
0x7b: {  	_ =	shalt  }
0x7c: {  	_ =	shalt  }
0x7d: {  	_ =	shalt  }
0x7e: {  	_ =	shalt  }
0x7f: {  	_ =	shalt  }
0x80: {  	_ =	shalt  }
0x81: {  	_ =	shalt  }
0x82: {  	_ =	shalt  }
0x83: {  	_ =	shalt  }
0x84: {  	_ =	shalt  }
0x85: {  	_ =	shalt  }
0x86: {  	_ =	shalt  }
0x87: {  	_ =	shalt  }
.Lfunc_end0:
.L_simem_size_0:
called_computation.1_lowered:
.L_overlay_start_0:
0x88: {  	s2 =	sld [smem:$0x3FD9]  }
0x89: {  	s3 =	sld [smem:$0x3FFE];
	_ =	sdelay $0x1  }
0x8a: {  	s1 =	srdreg.scid  }
0x8b: {  	s0 =	sand.u32 $0x1, s1  }
0x8c: {  	s17 =	sshll.u32 s0, $0xA;
	s2 =	sadd.s32 s3, s2  }
0x8d: {  	s2 =	sadd.s32 s2, s17  }
0x8e: {  	[smem:$0x3FBE] =	sst s2  }
0x8f: {  	_ = 	snop  }
0x90: {  	s2 =	sld [smem:$0x3FD0];
	(tm) =	ssettm $0x1  }
0x91: {  	s18 =	sld [smem:$0x3FFB];
	_ =	sdelay $0x3  }
0x92: {  	_ =	strace s18  }
0x93: {  	s3 =	sld [smem:$0x3FFC];
	_ =	sdelay $0x3  }
0x94: {  	_ =	strace s3  }
0x95: {  	s3 =	sld [smem:$0x3FFD];
	_ =	sdelay $0x3  }
0x96: {  	_ =	strace s3  }
0x97: {  	_ =	strace $0x8FFFFFFF  }
0x98: {  	s19 =	sld [smem:$0x3FDB];
	_ =	sdelay $0x1  }
0x99: {  	s4 =	simm.s32 $_scs_section_size  }
0x9a: {  	s5 =	simm.s32 $_size__tile_overlayer_lowered;
	s6 =	simm.s32 $_tile_overlayer_lowered  }
0x9b: {  	s22 =	simm.s32 $0x1BFF;
	s21 =	sshll.u32 s6, $0x1;
	s3 =	sadd.s32 s4, s19  }
0x9c: {  	s7 =	simm.s32 $0x0;
	s20 =	sshll.u32 s5, $0x1;
	s5 =	sadd.s32 s21, s3  }
0x9d: {  	[timem:s7], [sflag:s22] =	dma.local [hbm:s5], s20  }
0x9e: {  	_ =	swait.ge [sflag:s22], s20  }
0x9f: {  	s4 =	ssub.s32 $0x0, s20;
	[sflag:s22] =	ssyncset.done $0x0  }
0xa0: {  	[sflag:s22] =	ssyncadd.s32 s4;
	_ =	sdelay $0x1  }
0xa1: {  	s23 =	simm.s32 $0x1B8B  }
0xa2: {  	_ =	swait.ge [sflag:s23], $0x1  }
0xa3: {  	[sflag:s23] =	ssyncset.done $0x0  }
0xa4: {  	s25 =	simm.s32 $0x1B8E;
	s24 =	sld [smem:$0x3FFE];
	[sflag:s23] =	ssyncadd.s32 $0xFFFFFFFF  }
0xa5: {  	s26 =	simm.s32 $execute0_lowered;
	[smem:$0x3FD2] =	sst s25  }
0xa6: {  	s5 =	sshll.u32 s26, $0x1;
	_ =	strace $0x80000049;
	[dreg:$0x1] =	wrdreg $0xFFFFFFFF  }
0xa7: {  	s28 =	simm.s32 $_size_execute0_lowered;
	s3 =	sadd.s32 s3, s5;
	[dreg:$0x0] =	wrdreg $0x0  }
0xa8: {  	s5 =	sshll.u32 s28, $0x1;
	[dreg:$0x2] =	wrdreg s3  }
0xa9: {  	[dreg:$0x3] =	wrdreg s5  }
0xaa: {  	[dreg:$0x4] =	wrdreg $0xC0  }
0xab: {  	_ =	task [dreg:s7], $0x5FFFF  }
0xac: {  	[dreg:$0x1] =	wrdreg $0xFFFFFFFF  }
0xad: {  	[dreg:$0x0] =	wrdreg $0x60  }
0xae: {  	[dreg:$0x2] =	wrdreg s24  }
0xaf: {  	[dreg:$0x3] =	wrdreg s2  }
0xb0: {  	[dreg:$0x4] =	wrdreg $0x82000  }
0xb1: {  	[dreg:$0x5] =	wrdreg $0x9  }
0xb2: {  	_ =	task.clear_ibuf [dreg:s7], $0x6FFFF;
	_ =	strace $0x90000049  }
0xb3: {  	s29 =	simm.s32 $0x9;
	_ =	strace $0x8000004B  }
0xb4: {  	_ =	swait.ge [sflag:s29], $0x1  }
0xb5: {  	[sflag:s29] =	ssyncadd.s32 $0xFFFFFFFF  }
0xb6: {  	_ =	strace $0x9000004B  }
0xb7: {  	_ =	sfence  }
0xb8: {  	s30 =	sld [smem:$0x0];
	_ =	sdelay $0x2  }
0xb9: {  	s31 =	sshll.u32 s1, $0xD;
	s1 =	sshrl.u32 s1, $0x2  }
0xba: {  	s3 =	sand.u32 $0x4000, s31;
	s1 =	sadd.s32 s1, s30  }
0xbb: {  	s0 =	sor.u32 s3, s0;
	s1 =	sshll.u32 s1, $0x11  }
0xbc: {  	s0 =	sor.u32 s1, s0  }
0xbd: {  	s0 =	sadd.s32 $0x8F2B, s0  }
0xbe: {  	[sflag:s0] =	ssyncadd.remote.s32 $0x1  }
0xbf: {  	_ =	sfence.sel $0xFFFF  }
0xc0: {  	[dreg:$0x0] =	wrdreg $0xFFFFFFFF;
	(pc) =	sbr.abs _section_cstart, $3  }
0xc1: {  	[dreg:$0x1] =	wrdreg $0xFFFFFFFF  }
0xc2: {  	_ =	task.clear_ibuf [dreg:s7], $0x2FFFF;
	_ =	strace $0x9FFFFFFF  }
0xc3: {  	(tm) =	ssettm $0x7FFFFFFF  }
tec
execute0_lowered:
.L_overlay_start_1:
0x0: {  	(tag) =	ssettag $0x1  }
0x1: {  	s1 =	srdreg.scid  }
0x2: {  	s1 =	sand.u32 $0x1, s1  }
0x3: {  	p0 =	seq.s32 s1, $0x1  }
.Ltmp0:
0x4: {  	s14 =	rddreg [dreg:$0x0];
	(pc) =	sbr.rel @p0 .LBB2_6-.Ltmp0, $4  }
0x5: {  	s2 =	rddreg [dreg:$0x1]  }
0x6: {  	s3 =	rddreg [dreg:$0x2];
	s4 =	simm.s32 $0x0  }
0x7: {  	[smem:$0x7FF] =	sst s4  }
0x8: {  	s0 =	rddreg [dreg:$0x3];
	_ =	strace $0x8000004A;
	s1 =	stileid.u32  }
0x9: {  	s5 =	smul.u32 $0x4F000, s1;
	_ =	sdelay $0x1  }
0xa: {  	s5 =	sshrl.u32 s5, $0x2  }
0xb: {  	s26 =	sshll.u32 s1, $0x6;
	s6 =	sadd.s32 s5, s3  }
0xc: {  	s7 =	sadd.s32 $0x3E00, s14;
	s5 =	sor.u32 $0x1C05, s26;
	s6 =	sshrl.u32 s6, $0x3  }
0xd: {  	[spmem:s6], [sflag:s5] =	dma.local [hbm:s7], $0x2780  }
0xe: {  	s8 =	simm.s32 $0x5;
	s7 =	smul.u32 $0x5000, s1  }
0xf: {  	_ =	swait.ge [sflag:s8], $0x2780  }
0x10: {  	s9 =	sadd.s32 $0x55600, s14;
	s12 =	sshrl.u32 s7, $0x3;
	[sflag:s8] =	ssyncset.done $0x0  }
0x11: {  	s10 =	sadd.s32 s9, s12;
	[sflag:s8] =	ssyncadd.s32 $0xFFFFD880  }
0x12: {  	[tilespmem:s4], [sflag:$0x5] =	stream.linear.gather [hbm4b:s10+s4], $0x80, $0x38;
	[tilespmem:$0x1BE00] =	vst v63  }
0x13: {  	_ =	swait.ge [sflag:s8], $0x80  }
0x14: {  	s10 =	sadd.s32 $0x5F600, s14;
	[sflag:s8] =	ssyncset.done $0x0  }
0x15: {  	s11 =	simm.s32 $0x100;
	s13 =	sadd.s32 s10, s12;
	[sflag:s8] =	ssyncadd.s32 $0xFFFFFF80  }
0x16: {  	[tilespmem:s11], [sflag:$0x5] =	stream.linear.gather [hbm4b:s13+s4], $0x80, $0x38;
	[tilespmem:$0x1BE00] =	vst v63  }
0x17: {  	_ =	swait.ge [sflag:s8], $0x80  }
0x18: {  	s30 =	smul.u32 $0x2780, s1;
	s28 =	sor.u32 $0x10, s12;
	[sflag:s8] =	ssyncset.done $0x0  }
0x19: {  	s15 =	sadd.s32 s9, s28;
	s12 =	simm.s32 $0x80;
	[sflag:s8] =	ssyncadd.s32 $0xFFFFFF80  }
0x1a: {  	[tilespmem:s12], [sflag:$0x4] =	stream.linear.gather [hbm4b:s15+s4], $0x80, $0x38;
	[tilespmem:$0x1BE00] =	vst v63  }
.Ltmp1:
0x1b: {  	s29 =	sadd.s32 s10, s28;
	s13 =	simm.s32 $0x180;
	(pc) =	sbr.rel .LBB2_2-.Ltmp1, $4  }
0x1c: {  	[tilespmem:s13], [sflag:$0x4] =	stream.linear.gather [hbm4b:s29+s4], $0x80, $0x38;
	[tilespmem:$0x1BE00] =	vst v63  }
0x1d: {  	s16 =	simm.s32 $0x200;
	s31 =	sadd.s32 s30, s14;
	[bflag:$0x0] =	sbarrier.arrive $0xFFFF  }
0x1e: {  	[tilespmem:s16], [sflag:$0x1] =	stream.indirect.gather [hbm4b:s2+s12], $0x80, s4, s12, $0xb8;
	[tilespmem:$0x1BE00] =	vst v63  }
0x1f: {  	s14 =	sadd.s32 $0x2D800, s31;
	s15 =	simm.s32 $0x2;
	s16 =	simm.s32 $0x4200  }
.LBB2_4:
0x20: {  	s11 =	sadd.s32 $0x80, s11  }
0x21: {  	p0 =	sne.s32 s11, $0x4F80  }
.Ltmp2:
0x22: {  	_ = 	snop;
	(pc) =	sbr.rel @!p0 .LBB2_5-.Ltmp2, $2  }
0x23: {  	_ =	sdelay $0x2  }
0x24: {  	s4 =	sadd.s32 $0x1, s4  }
.LBB2_2:
0x25: {  	s17 =	sand.u32 $0x1, s4  }
0x26: {  	p0 =	seq.s32 s17, $0x1  }
0x27: {  	s18 =	simm.s32 @!p0 $0x1  }
0x28: {  	p1 =	seq.s32 @!p0 s4, $0x9C;
	_ =	swait.ge @!p0 [sflag:s18], $0x4000  }
0x29: {  	p1 =	por p1, p0;
	[sflag:s18] =	ssyncset.done @!p0 $0x0  }
0x2a: {  	[sflag:s18] =	ssyncadd.s32 @!p0 $0xFFFFC000;
	s18 =	simm.s32 @!p1 $0x4  }
0x2b: {  	_ =	swait.ge @!p1 [sflag:s18], $0x80  }
0x2c: {  	[sflag:s18] =	ssyncset.done @!p1 $0x0  }
0x2d: {  	[sflag:s18] =	ssyncadd.s32 @!p1 $0xFFFFFF80  }
0x2e: {  	_ =	swait.ge @!p1 [sflag:s18], $0x80  }
0x2f: {  	[sflag:s18] =	ssyncset.done @!p1 $0x0  }
0x30: {  	s19 =	simm.s32 @!p1 $0x4200;
	[sflag:s18] =	ssyncadd.s32 @!p1 $0xFFFFFF80;
	s18 =	simm.s32 @!p1 $0x80  }
0x31: {  	[tilespmem:s19], [sflag:$0x2] =	stream.indirect.gather @!p1 [hbm4b:s2+s18], $0x80, s18, s18, $0xb8;
	[tilespmem:$0x1BE00] =	vst v63  }
0x32: {  	s20 =	simm.s32 @!p0 $0x200;
	p1 =	sgt.u32 @!p0 s4, $0x9A  }
0x33: {  	s18 =	simm.s32 @!p0 $0x80;
	s19 =	simm.s32 @!p0 $0x100;
	p1 =	por p1, p0  }
0x34: {  	[spmem:s3] =	stream.indirect.scatter.add.f32 @!p0 [tilespmem:s20], [sflag:$0x5], $0x80, s19, s18, $0xb8;
	[tilespmem:$0x1BE00] =	vst v63  }
0x35: {  	s18 =	sand.u32 @!p1 $0xFC00, s11  }
0x36: {  	s19 =	simm.s32 @!p0 $0x5;
	s20 =	sand.u32 @!p1 $0x300, s11;
	s18 =	sadd.s32 @!p1 s7, s18  }
0x37: {  	_ =	swait.ge @!p0 [sflag:s19], $0x4000;
	s18 =	sor.u32 @!p1 s20, s18  }
0x38: {  	[sflag:s19] =	ssyncset.done @!p0 $0x0;
	s18 =	sshrl.u32 @!p1 s18, $0x3  }
0x39: {  	s20 =	simm.s32 @!p1 $0x0;
	[sflag:s19] =	ssyncadd.s32 @!p0 $0xFFFFC000;
	s19 =	sadd.s32 @!p1 s9, s18  }
0x3a: {  	[tilespmem:s20], [sflag:$0x3] =	stream.linear.gather @!p1 [hbm4b:s19+s20], $0x80, $0x38;
	[tilespmem:$0x1BE00] =	vst v63  }
0x3b: {  	s18 =	sadd.s32 @!p1 s10, s18;
	s19 =	simm.s32 @!p1 $0x100  }
0x3c: {  	[tilespmem:s19], [sflag:$0x3] =	stream.linear.gather @!p1 [hbm4b:s18+s20], $0x80, $0x38;
	[tilespmem:$0x1BE00] =	vst v63  }
0x3d: {  	p1 =	seq.s32 @!p0 s17, $0x0  }
0x3e: {  	p0 =	por p0, !p1  }
.Ltmp3:
0x3f: {  	_ = 	snop;
	(pc) =	sbr.rel @!p0 .LBB2_4-.Ltmp3, $1  }
0x40: {  	_ =	sdelay $0x3  }
0x41: {  	_ =	swait.ge [sflag:s15], $0x4000  }
0x42: {  	p0 =	seq.s32 s4, $0x9C;
	[sflag:s15] =	ssyncset.done $0x0  }
0x43: {  	s17 =	simm.s32 @!p0 $0x3;
	[sflag:s15] =	ssyncadd.s32 $0xFFFFC000  }
0x44: {  	_ =	swait.ge @!p0 [sflag:s17], $0x80  }
0x45: {  	[sflag:s17] =	ssyncset.done @!p0 $0x0  }
0x46: {  	[sflag:s17] =	ssyncadd.s32 @!p0 $0xFFFFFF80  }
0x47: {  	_ =	swait.ge @!p0 [sflag:s17], $0x80  }
0x48: {  	s18 =	simm.s32 @!p0 $0x0;
	[sflag:s17] =	ssyncset.done @!p0 $0x0  }
0x49: {  	s19 =	simm.s32 @!p0 $0x200;
	[sflag:s17] =	ssyncadd.s32 @!p0 $0xFFFFFF80;
	s17 =	simm.s32 @!p0 $0x80  }
0x4a: {  	[tilespmem:s19], [sflag:$0x1] =	stream.indirect.gather @!p0 [hbm4b:s2+s17], $0x80, s18, s17, $0xb8;
	[tilespmem:$0x1BE00] =	vst v63  }
0x4b: {  	p0 =	sgt.u32 s4, $0x9A  }
0x4c: {  	s17 =	sand.u32 @!p0 $0xFC00, s11  }
0x4d: {  	[spmem:s3] =	stream.indirect.scatter.add.f32 [tilespmem:s16], [sflag:$0x5], $0x80, s13, s12, $0xb8;
	[tilespmem:$0x1BE00] =	vst v63  }
0x4e: {  	s18 =	sand.u32 @!p0 $0x380, s11;
	s17 =	sadd.s32 @!p0 s7, s17  }
0x4f: {  	s19 =	simm.s32 @!p0 $0x0;
	_ =	swait.ge [sflag:s8], $0x4000;
	s17 =	sor.u32 @!p0 s18, s17  }
.Ltmp4:
0x50: {  	[sflag:s8] =	ssyncset.done $0x0;
	s17 =	sshrl.u32 @!p0 s17, $0x3;
	(pc) =	sbr.rel .LBB2_4-.Ltmp4, $4  }
0x51: {  	s20 =	simm.s32 @!p0 $0x80;
	[sflag:s8] =	ssyncadd.s32 $0xFFFFC000;
	s18 =	sadd.s32 @!p0 s9, s17  }
0x52: {  	[tilespmem:s20], [sflag:$0x4] =	stream.linear.gather @!p0 [hbm4b:s18+s19], $0x80, $0x38;
	[tilespmem:$0x1BE00] =	vst v63  }
0x53: {  	s17 =	sadd.s32 @!p0 s10, s17;
	s18 =	simm.s32 @!p0 $0x180  }
0x54: {  	[tilespmem:s18], [sflag:$0x4] =	stream.linear.gather @!p0 [hbm4b:s17+s19], $0x80, $0x38;
	[tilespmem:$0x1BE00] =	vst v63  }
.LBB2_5:
0x55: {  	[bflag:$0x0] =	sbarrier.arrive $0xFFFF;
	s2 =	simm.s32 $0x5  }
0x56: {  	[hbm:s14], [sflag:s5] =	dma.local [spmem:s6], $0x2780  }
0x57: {  	_ =	swait.ge [sflag:s2], $0x2780  }
0x58: {  	[sflag:s2] =	ssyncset.done $0x0  }
0x59: {  	[sflag:s2] =	ssyncadd.s32 $0xFFFFD880  }
.LBB2_6:
0x5a: {  	_ =	sfence.sel $0x180000  }
0x5b: {  	[bflag:$0x0] =	sbarrier.arrive $0xFFFF  }
0x5c: {  	p0 =	sne.s32 s1, $0x0;
	_ =	strace $0x9000004A  }
0x5d: {  	s0 =	sadd.s32 @!p0 $0x100000, s0;
	[bflag:$0x2] =	sbarrier.arrive $0xFFFF  }
0x5e: {  	[sflag:s0] =	ssyncadd.tile.s32 @!p0 $0x1;
	_ =	shalt  }
.Lfunc_end2:
_tile_overlayer_lowered:
.L_overlay_start_2:
0x5f: {  	(tag) =	ssettag $0x2  }
0x60: {  	s0 =	rddreg [dreg:$0x0];
	s2 =	stileid.u32  }
0x61: {  	s1 =	rddreg [dreg:$0x1];
	p0 =	sne.s32 s2, $0x0  }
0x62: {  	s3 =	rddreg [dreg:$0x2];
	[bflag:$0x3] =	sbarrier.arrive $0xFFFF;
	s2 =	simm.s32 @!p0 $0x1C05  }
0x63: {  	[timem:s3], [sflag:s2] =	dma.local @!p0 [hbm:s0], s1  }
0x64: {  	s0 =	simm.s32 @!p0 $0x5  }
0x65: {  	_ =	swait.ge @!p0 [sflag:s0], s1  }
0x66: {  	s1 =	ssub.s32 @!p0 $0x0, s1;
	[sflag:s0] =	ssyncset.done @!p0 $0x0  }
0x67: {  	[sflag:s0] =	ssyncadd.s32 @!p0 s1  }
0x68: {  	[bflag:$0x3] =	sbarrier.arrive $0xFFFF  }
0x69: {  	_ =	shalt  }

// kernel: kernel.14.cloned.1.call-start
scs
__scs_entry_jumppad:
0x0: {  	(pc) =	sbr.rel $0x88, $3  }
0x1: {  	(tag) =	ssettag $0x0;
	lr =	simm.s32 $0x1  }
0x2: {  	[smem:$0x3F97] =	sst lr;
	_ =	strace $0xD0000000  }
0x3: {  	_ = 	snop  }
0x4: {  	_ = 	snop  }
0x5: {  	_ = 	snop  }
0x6: {  	_ = 	snop  }
0x7: {  	_ = 	snop  }
__scs_overlays_trampoline_lowered:
0x8: {  	[smem:$0x3FA6] =	sst s0  }
0x9: {  	[smem:$0x3FA7] =	sst s1  }
0xa: {  	[smem:$0x3FA8] =	sst s2  }
0xb: {  	[smem:$0x3FA9] =	sst s3  }
0xc: {  	[smem:$0x3FAA] =	sst s4  }
0xd: {  	[smem:$0x3FAB] =	sst s5  }
0xe: {  	[smem:$0x3FAC] =	sst s6  }
0xf: {  	[smem:$0x3FAD] =	sst s7  }
0x10: {  	[smem:$0x3FAE] =	sst s8  }
0x11: {  	[smem:$0x3FAF] =	sst s9;
	s0 =	simm.s32 @!p0 $0x0  }
0x12: {  	s1 =	sld [smem:$0x3F95];
	s0 =	simm.s32 @p0 $0x1  }
0x13: {  	[smem:$0x3FB0] =	sst s0;
	s0 =	simm.s32 @!p1 $0x0  }
0x14: {  	s2 =	sld [smem:$0x3F94];
	s0 =	simm.s32 @p1 $0x1  }
0x15: {  	[smem:$0x3FB1] =	sst s0;
	s0 =	simm.s32 @!p2 $0x0  }
0x16: {  	s3 =	sld [smem:$0x3FDB];
	s0 =	simm.s32 @p2 $0x1  }
0x17: {  	s4 =	simm.s32 $0x1BF5;
	[smem:$0x3FB3] =	sst s0  }
0x18: {  	s0 =	sld [smem:$0x3F96];
	_ =	swait.ge [sflag:s4], $0x0  }
0x19: {  	s7 =	sld [smem:$0x3F97]  }
0x1a: {  	s8 =	sadd.s32 $0xFFFFE003, lr  }
0x1b: {  	s9 =	sadd.s32 $0xFFFFFEF7, lr;
	s5 =	simm.s32 $0xFFFFFFFF;
	p2 =	slt.u32 s8, $0xFFFFF086  }
0x1c: {  	p1 =	slt.u32 s9, $0xF7A;
	s5 =	simm.s32 @!p2 $0x0  }
0x1d: {  	s5 =	simm.s32 @p1 $0x1;
	p0 =	seq.s32 s7, s2  }
0x1e: {  	s7 =	smul.u32 @!p0 $0xF7A, s2;
	p2 =	seq.s32 @!p0 s5, $0x0  }
0x1f: {  	s9 =	smul.u32 $0xF7A, s1;
	s8 =	simm.s32 @!p0 $0x1BF5;
	p2 =	por !p2, p0  }
0x20: {  	[sflag:s8] =	ssyncset.s32 @!p0 $0xFFFFF086;
	s6 =	sadd.s32 @!p0 s3, s7;
	s7 =	simm.s32 @!p0 $0x108  }
0x21: {  	s3 =	sadd.s32 s3, s9;
	s6 =	sadd.s32 @!p0 $0x88, s6;
	s7 =	simm.s32 @p2 $0x1082  }
0x22: {  	[simem:s7], [sflag:s8] =	dma.local @!p0 [hbm:s6], $0xF7A  }
0x23: {  	s9 =	sor.u32 $0xD0000000, s2;
	s6 =	simm.s32 $0x108;
	_ =	swait.ge @!p0 [sflag:s8], $0x0  }
0x24: {  	s3 =	sadd.s32 $0x88, s3;
	s6 =	simm.s32 @!p1 $0x1082;
	[sflag:s4] =	ssyncset.s32 $0xFFFFF086  }
0x25: {  	[simem:s6], [sflag:s4] =	dma.local [hbm:s3], $0xF7A  }
0x26: {  	[smem:$0x3F97] =	sst s1;
	(tag) =	ssettag s2;
	_ =	strace s9  }
0x27: {  	s1 =	sld [smem:$0x3FA7]  }
0x28: {  	s2 =	sld [smem:$0x3FA8]  }
0x29: {  	s4 =	sld [smem:$0x3FAA]  }
0x2a: {  	p0 =	seq.s32 s5, $0x0;
	s5 =	sld [smem:$0x3FAB]  }
0x2b: {  	s6 =	sld [smem:$0x3FAC]  }
0x2c: {  	s7 =	sld [smem:$0x3FAD]  }
0x2d: {  	s3 =	simm.s32 $0x108;
	s8 =	sld [smem:$0x3FAE]  }
0x2e: {  	s3 =	simm.s32 @!p0 $0x1082;
	s9 =	sld [smem:$0x3FAF]  }
0x2f: {  	lr =	sadd.s32 s0, s3;
	s0 =	sld [smem:$0x3FA6]  }
0x30: {  	s3 =	sld [smem:$0x3FA9]  }
0x31: {  	[smem:$0x3FB2] =	sst s10  }
0x32: {  	s10 =	sld [smem:$0x3FB0];
	_ =	sdelay $0x3  }
0x33: {  	p0 =	seq.s32 s10, $0x1;
	s10 =	sld [smem:$0x3FB2];
	_ =	sdelay $0x3  }
0x34: {  	[smem:$0x3FB2] =	sst s10  }
0x35: {  	s10 =	sld [smem:$0x3FB1];
	_ =	sdelay $0x3  }
0x36: {  	p1 =	seq.s32 s10, $0x1;
	s10 =	sld [smem:$0x3FB2];
	_ =	sdelay $0x3  }
0x37: {  	[smem:$0x3FB2] =	sst s10  }
0x38: {  	s10 =	sld [smem:$0x3FB3]  }
0x39: {  	_ = 	snop;
	(pc) =	sbr.ind lr, $3  }
0x3a: {  	_ = 	snop  }
0x3b: {  	_ = 	snop  }
0x3c: {  	p2 =	seq.s32 s10, $0x1;
	s10 =	sld [smem:$0x3FB2]  }
0x3d: {  	_ =	shalt  }
0x3e: {  	_ =	shalt  }
0x3f: {  	_ =	shalt  }
0x40: {  	_ =	shalt  }
0x41: {  	_ =	shalt  }
0x42: {  	_ =	shalt  }
0x43: {  	_ =	shalt  }
0x44: {  	_ =	shalt  }
0x45: {  	_ =	shalt  }
0x46: {  	_ =	shalt  }
0x47: {  	_ =	shalt  }
0x48: {  	_ =	shalt  }
0x49: {  	_ =	shalt  }
0x4a: {  	_ =	shalt  }
0x4b: {  	_ =	shalt  }
0x4c: {  	_ =	shalt  }
0x4d: {  	_ =	shalt  }
0x4e: {  	_ =	shalt  }
0x4f: {  	_ =	shalt  }
0x50: {  	_ =	shalt  }
0x51: {  	_ =	shalt  }
0x52: {  	_ =	shalt  }
0x53: {  	_ =	shalt  }
0x54: {  	_ =	shalt  }
0x55: {  	_ =	shalt  }
0x56: {  	_ =	shalt  }
0x57: {  	_ =	shalt  }
0x58: {  	_ =	shalt  }
0x59: {  	_ =	shalt  }
0x5a: {  	_ =	shalt  }
0x5b: {  	_ =	shalt  }
0x5c: {  	_ =	shalt  }
0x5d: {  	_ =	shalt  }
0x5e: {  	_ =	shalt  }
0x5f: {  	_ =	shalt  }
0x60: {  	_ =	shalt  }
0x61: {  	_ =	shalt  }
0x62: {  	_ =	shalt  }
0x63: {  	_ =	shalt  }
0x64: {  	_ =	shalt  }
0x65: {  	_ =	shalt  }
0x66: {  	_ =	shalt  }
0x67: {  	_ =	shalt  }
0x68: {  	_ =	shalt  }
0x69: {  	_ =	shalt  }
0x6a: {  	_ =	shalt  }
0x6b: {  	_ =	shalt  }
0x6c: {  	_ =	shalt  }
0x6d: {  	_ =	shalt  }
0x6e: {  	_ =	shalt  }
0x6f: {  	_ =	shalt  }
0x70: {  	_ =	shalt  }
0x71: {  	_ =	shalt  }
0x72: {  	_ =	shalt  }
0x73: {  	_ =	shalt  }
0x74: {  	_ =	shalt  }
0x75: {  	_ =	shalt  }
0x76: {  	_ =	shalt  }
0x77: {  	_ =	shalt  }
0x78: {  	_ =	shalt  }
0x79: {  	_ =	shalt  }
0x7a: {  	_ =	shalt  }
0x7b: {  	_ =	shalt  }
0x7c: {  	_ =	shalt  }
0x7d: {  	_ =	shalt  }
0x7e: {  	_ =	shalt  }
0x7f: {  	_ =	shalt  }
0x80: {  	_ =	shalt  }
0x81: {  	_ =	shalt  }
0x82: {  	_ =	shalt  }
0x83: {  	_ =	shalt  }
0x84: {  	_ =	shalt  }
0x85: {  	_ =	shalt  }
0x86: {  	_ =	shalt  }
0x87: {  	_ =	shalt  }
.Lfunc_end0:
.L_simem_size_0:
called_computation.2_lowered:
.L_overlay_start_0:
0x88: {  	s2 =	sld [smem:$0x3FD9]  }
0x89: {  	s3 =	sld [smem:$0x3FFE];
	_ =	sdelay $0x1  }
0x8a: {  	s1 =	srdreg.scid  }
0x8b: {  	s0 =	sand.u32 $0x1, s1  }
0x8c: {  	s17 =	sshll.u32 s0, $0xA;
	s2 =	sadd.s32 s3, s2  }
0x8d: {  	s2 =	sadd.s32 s2, s17  }
0x8e: {  	[smem:$0x3FBE] =	sst s2  }
0x8f: {  	_ = 	snop  }
0x90: {  	s2 =	sld [smem:$0x3FD0];
	(tm) =	ssettm $0x1  }
0x91: {  	s18 =	sld [smem:$0x3FFB];
	_ =	sdelay $0x3  }
0x92: {  	_ =	strace s18  }
0x93: {  	s3 =	sld [smem:$0x3FFC];
	_ =	sdelay $0x3  }
0x94: {  	_ =	strace s3  }
0x95: {  	s3 =	sld [smem:$0x3FFD];
	_ =	sdelay $0x3  }
0x96: {  	_ =	strace s3  }
0x97: {  	_ =	strace $0x8FFFFFFF  }
0x98: {  	s19 =	sld [smem:$0x3FDB];
	_ =	sdelay $0x1  }
0x99: {  	s4 =	simm.s32 $_scs_section_size  }
0x9a: {  	s5 =	simm.s32 $_size__tile_overlayer_lowered;
	s6 =	simm.s32 $_tile_overlayer_lowered  }
0x9b: {  	s22 =	simm.s32 $0x1BFF;
	s21 =	sshll.u32 s6, $0x1;
	s3 =	sadd.s32 s4, s19  }
0x9c: {  	s7 =	simm.s32 $0x0;
	s20 =	sshll.u32 s5, $0x1;
	s5 =	sadd.s32 s21, s3  }
0x9d: {  	[timem:s7], [sflag:s22] =	dma.local [hbm:s5], s20  }
0x9e: {  	_ =	swait.ge [sflag:s22], s20  }
0x9f: {  	s4 =	ssub.s32 $0x0, s20;
	[sflag:s22] =	ssyncset.done $0x0  }
0xa0: {  	[sflag:s22] =	ssyncadd.s32 s4;
	_ =	sdelay $0x1  }
0xa1: {  	s23 =	simm.s32 $0x1B8B  }
0xa2: {  	_ =	swait.ge [sflag:s23], $0x1  }
0xa3: {  	[sflag:s23] =	ssyncset.done $0x0  }
0xa4: {  	s25 =	simm.s32 $0x1B8E;
	s24 =	sld [smem:$0x3FFE];
	[sflag:s23] =	ssyncadd.s32 $0xFFFFFFFF  }
0xa5: {  	s26 =	simm.s32 $execute0_lowered;
	[smem:$0x3FD2] =	sst s25  }
0xa6: {  	s5 =	sshll.u32 s26, $0x1;
	_ =	strace $0x8000004C;
	[dreg:$0x1] =	wrdreg $0xFFFFFFFF  }
0xa7: {  	s28 =	simm.s32 $_size_execute0_lowered;
	s3 =	sadd.s32 s3, s5;
	[dreg:$0x0] =	wrdreg $0x0  }
0xa8: {  	s5 =	sshll.u32 s28, $0x1;
	[dreg:$0x2] =	wrdreg s3  }
0xa9: {  	[dreg:$0x3] =	wrdreg s5  }
0xaa: {  	[dreg:$0x4] =	wrdreg $0xC0  }
0xab: {  	_ =	task [dreg:s7], $0x5FFFF  }
0xac: {  	[dreg:$0x1] =	wrdreg $0xFFFFFFFF  }
0xad: {  	[dreg:$0x0] =	wrdreg $0x60  }
0xae: {  	[dreg:$0x2] =	wrdreg s24  }
0xaf: {  	[dreg:$0x3] =	wrdreg s2  }
0xb0: {  	[dreg:$0x4] =	wrdreg $0x82000  }
0xb1: {  	[dreg:$0x5] =	wrdreg $0x9  }
0xb2: {  	_ =	task.clear_ibuf [dreg:s7], $0x6FFFF;
	_ =	strace $0x9000004C  }
0xb3: {  	s29 =	simm.s32 $0x9;
	_ =	strace $0x8000004E  }
0xb4: {  	_ =	swait.ge [sflag:s29], $0x1  }
0xb5: {  	[sflag:s29] =	ssyncadd.s32 $0xFFFFFFFF  }
0xb6: {  	_ =	strace $0x9000004E  }
0xb7: {  	_ =	sfence  }
0xb8: {  	s30 =	sld [smem:$0x0];
	_ =	sdelay $0x2  }
0xb9: {  	s31 =	sshll.u32 s1, $0xD;
	s1 =	sshrl.u32 s1, $0x2  }
0xba: {  	s3 =	sand.u32 $0x4000, s31;
	s1 =	sadd.s32 s1, s30  }
0xbb: {  	s0 =	sor.u32 s3, s0;
	s1 =	sshll.u32 s1, $0x11  }
0xbc: {  	s0 =	sor.u32 s1, s0  }
0xbd: {  	s0 =	sadd.s32 $0x8F2B, s0  }
0xbe: {  	[sflag:s0] =	ssyncadd.remote.s32 $0x1  }
0xbf: {  	_ =	sfence.sel $0xFFFF  }
0xc0: {  	[dreg:$0x0] =	wrdreg $0xFFFFFFFF;
	(pc) =	sbr.abs _section_cstart, $3  }
0xc1: {  	[dreg:$0x1] =	wrdreg $0xFFFFFFFF  }
0xc2: {  	_ =	task.clear_ibuf [dreg:s7], $0x2FFFF;
	_ =	strace $0x9FFFFFFF  }
0xc3: {  	(tm) =	ssettm $0x7FFFFFFF  }
tec
execute0_lowered:
.L_overlay_start_1:
0x0: {  	(tag) =	ssettag $0x1  }
0x1: {  	s1 =	srdreg.scid  }
0x2: {  	s1 =	sand.u32 $0x1, s1  }
0x3: {  	p0 =	seq.s32 s1, $0x1  }
.Ltmp0:
0x4: {  	s14 =	rddreg [dreg:$0x0];
	(pc) =	sbr.rel @p0 .LBB2_6-.Ltmp0, $4  }
0x5: {  	s2 =	rddreg [dreg:$0x1]  }
0x6: {  	s3 =	rddreg [dreg:$0x2];
	s4 =	simm.s32 $0x0  }
0x7: {  	[smem:$0x7FF] =	sst s4  }
0x8: {  	s0 =	rddreg [dreg:$0x3];
	_ =	strace $0x8000004D;
	s1 =	stileid.u32  }
0x9: {  	s5 =	smul.u32 $0x4F000, s1;
	_ =	sdelay $0x1  }
0xa: {  	s5 =	sshrl.u32 s5, $0x2  }
0xb: {  	s26 =	sshll.u32 s1, $0x6;
	s6 =	sadd.s32 s5, s3  }
0xc: {  	s7 =	sadd.s32 $0x3E00, s14;
	s5 =	sor.u32 $0x1C05, s26;
	s6 =	sshrl.u32 s6, $0x3  }
0xd: {  	[spmem:s6], [sflag:s5] =	dma.local [hbm:s7], $0x2780  }
0xe: {  	s8 =	simm.s32 $0x5;
	s7 =	smul.u32 $0x5000, s1  }
0xf: {  	_ =	swait.ge [sflag:s8], $0x2780  }
0x10: {  	s9 =	sadd.s32 $0x55600, s14;
	s12 =	sshrl.u32 s7, $0x3;
	[sflag:s8] =	ssyncset.done $0x0  }
0x11: {  	s10 =	sadd.s32 s9, s12;
	[sflag:s8] =	ssyncadd.s32 $0xFFFFD880  }
0x12: {  	[tilespmem:s4], [sflag:$0x5] =	stream.linear.gather [hbm4b:s10+s4], $0x80, $0x38;
	[tilespmem:$0x1BE00] =	vst v63  }
0x13: {  	_ =	swait.ge [sflag:s8], $0x80  }
0x14: {  	s10 =	sadd.s32 $0x5F600, s14;
	[sflag:s8] =	ssyncset.done $0x0  }
0x15: {  	s11 =	simm.s32 $0x100;
	s13 =	sadd.s32 s10, s12;
	[sflag:s8] =	ssyncadd.s32 $0xFFFFFF80  }
0x16: {  	[tilespmem:s11], [sflag:$0x5] =	stream.linear.gather [hbm4b:s13+s4], $0x80, $0x38;
	[tilespmem:$0x1BE00] =	vst v63  }
0x17: {  	_ =	swait.ge [sflag:s8], $0x80  }
0x18: {  	s30 =	smul.u32 $0x2780, s1;
	s28 =	sor.u32 $0x10, s12;
	[sflag:s8] =	ssyncset.done $0x0  }
0x19: {  	s15 =	sadd.s32 s9, s28;
	s12 =	simm.s32 $0x80;
	[sflag:s8] =	ssyncadd.s32 $0xFFFFFF80  }
0x1a: {  	[tilespmem:s12], [sflag:$0x4] =	stream.linear.gather [hbm4b:s15+s4], $0x80, $0x38;
	[tilespmem:$0x1BE00] =	vst v63  }
.Ltmp1:
0x1b: {  	s29 =	sadd.s32 s10, s28;
	s13 =	simm.s32 $0x180;
	(pc) =	sbr.rel .LBB2_2-.Ltmp1, $4  }
0x1c: {  	[tilespmem:s13], [sflag:$0x4] =	stream.linear.gather [hbm4b:s29+s4], $0x80, $0x38;
	[tilespmem:$0x1BE00] =	vst v63  }
0x1d: {  	s16 =	simm.s32 $0x200;
	s31 =	sadd.s32 s30, s14;
	[bflag:$0x0] =	sbarrier.arrive $0xFFFF  }
0x1e: {  	[tilespmem:s16], [sflag:$0x1] =	stream.indirect.gather [hbm4b:s2+s12], $0x80, s4, s12, $0xb8;
	[tilespmem:$0x1BE00] =	vst v63  }
0x1f: {  	s14 =	sadd.s32 $0x2D800, s31;
	s15 =	simm.s32 $0x2;
	s16 =	simm.s32 $0x4200  }
.LBB2_4:
0x20: {  	s11 =	sadd.s32 $0x80, s11  }
0x21: {  	p0 =	sne.s32 s11, $0x4F80  }
.Ltmp2:
0x22: {  	_ = 	snop;
	(pc) =	sbr.rel @!p0 .LBB2_5-.Ltmp2, $2  }
0x23: {  	_ =	sdelay $0x2  }
0x24: {  	s4 =	sadd.s32 $0x1, s4  }
.LBB2_2:
0x25: {  	s17 =	sand.u32 $0x1, s4  }
0x26: {  	p0 =	seq.s32 s17, $0x1  }
0x27: {  	s18 =	simm.s32 @!p0 $0x1  }
0x28: {  	p1 =	seq.s32 @!p0 s4, $0x9C;
	_ =	swait.ge @!p0 [sflag:s18], $0x4000  }
0x29: {  	p1 =	por p1, p0;
	[sflag:s18] =	ssyncset.done @!p0 $0x0  }
0x2a: {  	[sflag:s18] =	ssyncadd.s32 @!p0 $0xFFFFC000;
	s18 =	simm.s32 @!p1 $0x4  }
0x2b: {  	_ =	swait.ge @!p1 [sflag:s18], $0x80  }
0x2c: {  	[sflag:s18] =	ssyncset.done @!p1 $0x0  }
0x2d: {  	[sflag:s18] =	ssyncadd.s32 @!p1 $0xFFFFFF80  }
0x2e: {  	_ =	swait.ge @!p1 [sflag:s18], $0x80  }
0x2f: {  	[sflag:s18] =	ssyncset.done @!p1 $0x0  }
0x30: {  	s19 =	simm.s32 @!p1 $0x4200;
	[sflag:s18] =	ssyncadd.s32 @!p1 $0xFFFFFF80;
	s18 =	simm.s32 @!p1 $0x80  }
0x31: {  	[tilespmem:s19], [sflag:$0x2] =	stream.indirect.gather @!p1 [hbm4b:s2+s18], $0x80, s18, s18, $0xb8;
	[tilespmem:$0x1BE00] =	vst v63  }
0x32: {  	s20 =	simm.s32 @!p0 $0x200;
	p1 =	sgt.u32 @!p0 s4, $0x9A  }
0x33: {  	s18 =	simm.s32 @!p0 $0x80;
	s19 =	simm.s32 @!p0 $0x100;
	p1 =	por p1, p0  }
0x34: {  	[spmem:s3] =	stream.indirect.scatter.add.f32 @!p0 [tilespmem:s20], [sflag:$0x5], $0x80, s19, s18, $0xb8;
	[tilespmem:$0x1BE00] =	vst v63  }
0x35: {  	s18 =	sand.u32 @!p1 $0xFC00, s11  }
0x36: {  	s19 =	simm.s32 @!p0 $0x5;
	s20 =	sand.u32 @!p1 $0x300, s11;
	s18 =	sadd.s32 @!p1 s7, s18  }
0x37: {  	_ =	swait.ge @!p0 [sflag:s19], $0x4000;
	s18 =	sor.u32 @!p1 s20, s18  }
0x38: {  	[sflag:s19] =	ssyncset.done @!p0 $0x0;
	s18 =	sshrl.u32 @!p1 s18, $0x3  }
0x39: {  	s20 =	simm.s32 @!p1 $0x0;
	[sflag:s19] =	ssyncadd.s32 @!p0 $0xFFFFC000;
	s19 =	sadd.s32 @!p1 s9, s18  }
0x3a: {  	[tilespmem:s20], [sflag:$0x3] =	stream.linear.gather @!p1 [hbm4b:s19+s20], $0x80, $0x38;
	[tilespmem:$0x1BE00] =	vst v63  }
0x3b: {  	s18 =	sadd.s32 @!p1 s10, s18;
	s19 =	simm.s32 @!p1 $0x100  }
0x3c: {  	[tilespmem:s19], [sflag:$0x3] =	stream.linear.gather @!p1 [hbm4b:s18+s20], $0x80, $0x38;
	[tilespmem:$0x1BE00] =	vst v63  }
0x3d: {  	p1 =	seq.s32 @!p0 s17, $0x0  }
0x3e: {  	p0 =	por p0, !p1  }
.Ltmp3:
0x3f: {  	_ = 	snop;
	(pc) =	sbr.rel @!p0 .LBB2_4-.Ltmp3, $1  }
0x40: {  	_ =	sdelay $0x3  }
0x41: {  	_ =	swait.ge [sflag:s15], $0x4000  }
0x42: {  	p0 =	seq.s32 s4, $0x9C;
	[sflag:s15] =	ssyncset.done $0x0  }
0x43: {  	s17 =	simm.s32 @!p0 $0x3;
	[sflag:s15] =	ssyncadd.s32 $0xFFFFC000  }
0x44: {  	_ =	swait.ge @!p0 [sflag:s17], $0x80  }
0x45: {  	[sflag:s17] =	ssyncset.done @!p0 $0x0  }
0x46: {  	[sflag:s17] =	ssyncadd.s32 @!p0 $0xFFFFFF80  }
0x47: {  	_ =	swait.ge @!p0 [sflag:s17], $0x80  }
0x48: {  	s18 =	simm.s32 @!p0 $0x0;
	[sflag:s17] =	ssyncset.done @!p0 $0x0  }
0x49: {  	s19 =	simm.s32 @!p0 $0x200;
	[sflag:s17] =	ssyncadd.s32 @!p0 $0xFFFFFF80;
	s17 =	simm.s32 @!p0 $0x80  }
0x4a: {  	[tilespmem:s19], [sflag:$0x1] =	stream.indirect.gather @!p0 [hbm4b:s2+s17], $0x80, s18, s17, $0xb8;
	[tilespmem:$0x1BE00] =	vst v63  }
0x4b: {  	p0 =	sgt.u32 s4, $0x9A  }
0x4c: {  	s17 =	sand.u32 @!p0 $0xFC00, s11  }
0x4d: {  	[spmem:s3] =	stream.indirect.scatter.add.f32 [tilespmem:s16], [sflag:$0x5], $0x80, s13, s12, $0xb8;
	[tilespmem:$0x1BE00] =	vst v63  }
0x4e: {  	s18 =	sand.u32 @!p0 $0x380, s11;
	s17 =	sadd.s32 @!p0 s7, s17  }
0x4f: {  	s19 =	simm.s32 @!p0 $0x0;
	_ =	swait.ge [sflag:s8], $0x4000;
	s17 =	sor.u32 @!p0 s18, s17  }
.Ltmp4:
0x50: {  	[sflag:s8] =	ssyncset.done $0x0;
	s17 =	sshrl.u32 @!p0 s17, $0x3;
	(pc) =	sbr.rel .LBB2_4-.Ltmp4, $4  }
0x51: {  	s20 =	simm.s32 @!p0 $0x80;
	[sflag:s8] =	ssyncadd.s32 $0xFFFFC000;
	s18 =	sadd.s32 @!p0 s9, s17  }
0x52: {  	[tilespmem:s20], [sflag:$0x4] =	stream.linear.gather @!p0 [hbm4b:s18+s19], $0x80, $0x38;
	[tilespmem:$0x1BE00] =	vst v63  }
0x53: {  	s17 =	sadd.s32 @!p0 s10, s17;
	s18 =	simm.s32 @!p0 $0x180  }
0x54: {  	[tilespmem:s18], [sflag:$0x4] =	stream.linear.gather @!p0 [hbm4b:s17+s19], $0x80, $0x38;
	[tilespmem:$0x1BE00] =	vst v63  }
.LBB2_5:
0x55: {  	[bflag:$0x0] =	sbarrier.arrive $0xFFFF;
	s2 =	simm.s32 $0x5  }
0x56: {  	[hbm:s14], [sflag:s5] =	dma.local [spmem:s6], $0x2780  }
0x57: {  	_ =	swait.ge [sflag:s2], $0x2780  }
0x58: {  	[sflag:s2] =	ssyncset.done $0x0  }
0x59: {  	[sflag:s2] =	ssyncadd.s32 $0xFFFFD880  }
.LBB2_6:
0x5a: {  	_ =	sfence.sel $0x180000  }
0x5b: {  	[bflag:$0x0] =	sbarrier.arrive $0xFFFF  }
0x5c: {  	p0 =	sne.s32 s1, $0x0;
	_ =	strace $0x9000004D  }
0x5d: {  	s0 =	sadd.s32 @!p0 $0x100000, s0;
	[bflag:$0x2] =	sbarrier.arrive $0xFFFF  }
0x5e: {  	[sflag:s0] =	ssyncadd.tile.s32 @!p0 $0x1;
	_ =	shalt  }
.Lfunc_end2:
_tile_overlayer_lowered:
.L_overlay_start_2:
0x5f: {  	(tag) =	ssettag $0x2  }
0x60: {  	s0 =	rddreg [dreg:$0x0];
	s2 =	stileid.u32  }
0x61: {  	s1 =	rddreg [dreg:$0x1];
	p0 =	sne.s32 s2, $0x0  }
0x62: {  	s3 =	rddreg [dreg:$0x2];
	[bflag:$0x3] =	sbarrier.arrive $0xFFFF;
	s2 =	simm.s32 @!p0 $0x1C05  }
0x63: {  	[timem:s3], [sflag:s2] =	dma.local @!p0 [hbm:s0], s1  }
0x64: {  	s0 =	simm.s32 @!p0 $0x5  }
0x65: {  	_ =	swait.ge @!p0 [sflag:s0], s1  }
0x66: {  	s1 =	ssub.s32 @!p0 $0x0, s1;
	[sflag:s0] =	ssyncset.done @!p0 $0x0  }
0x67: {  	[sflag:s0] =	ssyncadd.s32 @!p0 s1  }
0x68: {  	[bflag:$0x3] =	sbarrier.arrive $0xFFFF  }
0x69: {  	_ =	shalt  }

// kernel: kernel.8.cloned.1.call-start
scs
__scs_entry_jumppad:
0x0: {  	(pc) =	sbr.rel $0x88, $3  }
0x1: {  	(tag) =	ssettag $0x0;
	lr =	simm.s32 $0x1  }
0x2: {  	[smem:$0x3F97] =	sst lr;
	_ =	strace $0xD0000000  }
0x3: {  	_ = 	snop  }
0x4: {  	_ = 	snop  }
0x5: {  	_ = 	snop  }
0x6: {  	_ = 	snop  }
0x7: {  	_ = 	snop  }
__scs_overlays_trampoline_lowered:
0x8: {  	[smem:$0x3FA6] =	sst s0  }
0x9: {  	[smem:$0x3FA7] =	sst s1  }
0xa: {  	[smem:$0x3FA8] =	sst s2  }
0xb: {  	[smem:$0x3FA9] =	sst s3  }
0xc: {  	[smem:$0x3FAA] =	sst s4  }
0xd: {  	[smem:$0x3FAB] =	sst s5  }
0xe: {  	[smem:$0x3FAC] =	sst s6  }
0xf: {  	[smem:$0x3FAD] =	sst s7  }
0x10: {  	[smem:$0x3FAE] =	sst s8  }
0x11: {  	[smem:$0x3FAF] =	sst s9;
	s0 =	simm.s32 @!p0 $0x0  }
0x12: {  	s1 =	sld [smem:$0x3F95];
	s0 =	simm.s32 @p0 $0x1  }
0x13: {  	[smem:$0x3FB0] =	sst s0;
	s0 =	simm.s32 @!p1 $0x0  }
0x14: {  	s2 =	sld [smem:$0x3F94];
	s0 =	simm.s32 @p1 $0x1  }
0x15: {  	[smem:$0x3FB1] =	sst s0;
	s0 =	simm.s32 @!p2 $0x0  }
0x16: {  	s3 =	sld [smem:$0x3FDB];
	s0 =	simm.s32 @p2 $0x1  }
0x17: {  	s4 =	simm.s32 $0x1BF5;
	[smem:$0x3FB3] =	sst s0  }
0x18: {  	s0 =	sld [smem:$0x3F96];
	_ =	swait.ge [sflag:s4], $0x0  }
0x19: {  	s7 =	sld [smem:$0x3F97]  }
0x1a: {  	s8 =	sadd.s32 $0xFFFFE003, lr  }
0x1b: {  	s9 =	sadd.s32 $0xFFFFFEF7, lr;
	s5 =	simm.s32 $0xFFFFFFFF;
	p2 =	slt.u32 s8, $0xFFFFF086  }
0x1c: {  	p1 =	slt.u32 s9, $0xF7A;
	s5 =	simm.s32 @!p2 $0x0  }
0x1d: {  	s5 =	simm.s32 @p1 $0x1;
	p0 =	seq.s32 s7, s2  }
0x1e: {  	s7 =	smul.u32 @!p0 $0xF7A, s2;
	p2 =	seq.s32 @!p0 s5, $0x0  }
0x1f: {  	s9 =	smul.u32 $0xF7A, s1;
	s8 =	simm.s32 @!p0 $0x1BF5;
	p2 =	por !p2, p0  }
0x20: {  	[sflag:s8] =	ssyncset.s32 @!p0 $0xFFFFF086;
	s6 =	sadd.s32 @!p0 s3, s7;
	s7 =	simm.s32 @!p0 $0x108  }
0x21: {  	s3 =	sadd.s32 s3, s9;
	s6 =	sadd.s32 @!p0 $0x88, s6;
	s7 =	simm.s32 @p2 $0x1082  }
0x22: {  	[simem:s7], [sflag:s8] =	dma.local @!p0 [hbm:s6], $0xF7A  }
0x23: {  	s9 =	sor.u32 $0xD0000000, s2;
	s6 =	simm.s32 $0x108;
	_ =	swait.ge @!p0 [sflag:s8], $0x0  }
0x24: {  	s3 =	sadd.s32 $0x88, s3;
	s6 =	simm.s32 @!p1 $0x1082;
	[sflag:s4] =	ssyncset.s32 $0xFFFFF086  }
0x25: {  	[simem:s6], [sflag:s4] =	dma.local [hbm:s3], $0xF7A  }
0x26: {  	[smem:$0x3F97] =	sst s1;
	(tag) =	ssettag s2;
	_ =	strace s9  }
0x27: {  	s1 =	sld [smem:$0x3FA7]  }
0x28: {  	s2 =	sld [smem:$0x3FA8]  }
0x29: {  	s4 =	sld [smem:$0x3FAA]  }
0x2a: {  	p0 =	seq.s32 s5, $0x0;
	s5 =	sld [smem:$0x3FAB]  }
0x2b: {  	s6 =	sld [smem:$0x3FAC]  }
0x2c: {  	s7 =	sld [smem:$0x3FAD]  }
0x2d: {  	s3 =	simm.s32 $0x108;
	s8 =	sld [smem:$0x3FAE]  }
0x2e: {  	s3 =	simm.s32 @!p0 $0x1082;
	s9 =	sld [smem:$0x3FAF]  }
0x2f: {  	lr =	sadd.s32 s0, s3;
	s0 =	sld [smem:$0x3FA6]  }
0x30: {  	s3 =	sld [smem:$0x3FA9]  }
0x31: {  	[smem:$0x3FB2] =	sst s10  }
0x32: {  	s10 =	sld [smem:$0x3FB0];
	_ =	sdelay $0x3  }
0x33: {  	p0 =	seq.s32 s10, $0x1;
	s10 =	sld [smem:$0x3FB2];
	_ =	sdelay $0x3  }
0x34: {  	[smem:$0x3FB2] =	sst s10  }
0x35: {  	s10 =	sld [smem:$0x3FB1];
	_ =	sdelay $0x3  }
0x36: {  	p1 =	seq.s32 s10, $0x1;
	s10 =	sld [smem:$0x3FB2];
	_ =	sdelay $0x3  }
0x37: {  	[smem:$0x3FB2] =	sst s10  }
0x38: {  	s10 =	sld [smem:$0x3FB3]  }
0x39: {  	_ = 	snop;
	(pc) =	sbr.ind lr, $3  }
0x3a: {  	_ = 	snop  }
0x3b: {  	_ = 	snop  }
0x3c: {  	p2 =	seq.s32 s10, $0x1;
	s10 =	sld [smem:$0x3FB2]  }
0x3d: {  	_ =	shalt  }
0x3e: {  	_ =	shalt  }
0x3f: {  	_ =	shalt  }
0x40: {  	_ =	shalt  }
0x41: {  	_ =	shalt  }
0x42: {  	_ =	shalt  }
0x43: {  	_ =	shalt  }
0x44: {  	_ =	shalt  }
0x45: {  	_ =	shalt  }
0x46: {  	_ =	shalt  }
0x47: {  	_ =	shalt  }
0x48: {  	_ =	shalt  }
0x49: {  	_ =	shalt  }
0x4a: {  	_ =	shalt  }
0x4b: {  	_ =	shalt  }
0x4c: {  	_ =	shalt  }
0x4d: {  	_ =	shalt  }
0x4e: {  	_ =	shalt  }
0x4f: {  	_ =	shalt  }
0x50: {  	_ =	shalt  }
0x51: {  	_ =	shalt  }
0x52: {  	_ =	shalt  }
0x53: {  	_ =	shalt  }
0x54: {  	_ =	shalt  }
0x55: {  	_ =	shalt  }
0x56: {  	_ =	shalt  }
0x57: {  	_ =	shalt  }
0x58: {  	_ =	shalt  }
0x59: {  	_ =	shalt  }
0x5a: {  	_ =	shalt  }
0x5b: {  	_ =	shalt  }
0x5c: {  	_ =	shalt  }
0x5d: {  	_ =	shalt  }
0x5e: {  	_ =	shalt  }
0x5f: {  	_ =	shalt  }
0x60: {  	_ =	shalt  }
0x61: {  	_ =	shalt  }
0x62: {  	_ =	shalt  }
0x63: {  	_ =	shalt  }
0x64: {  	_ =	shalt  }
0x65: {  	_ =	shalt  }
0x66: {  	_ =	shalt  }
0x67: {  	_ =	shalt  }
0x68: {  	_ =	shalt  }
0x69: {  	_ =	shalt  }
0x6a: {  	_ =	shalt  }
0x6b: {  	_ =	shalt  }
0x6c: {  	_ =	shalt  }
0x6d: {  	_ =	shalt  }
0x6e: {  	_ =	shalt  }
0x6f: {  	_ =	shalt  }
0x70: {  	_ =	shalt  }
0x71: {  	_ =	shalt  }
0x72: {  	_ =	shalt  }
0x73: {  	_ =	shalt  }
0x74: {  	_ =	shalt  }
0x75: {  	_ =	shalt  }
0x76: {  	_ =	shalt  }
0x77: {  	_ =	shalt  }
0x78: {  	_ =	shalt  }
0x79: {  	_ =	shalt  }
0x7a: {  	_ =	shalt  }
0x7b: {  	_ =	shalt  }
0x7c: {  	_ =	shalt  }
0x7d: {  	_ =	shalt  }
0x7e: {  	_ =	shalt  }
0x7f: {  	_ =	shalt  }
0x80: {  	_ =	shalt  }
0x81: {  	_ =	shalt  }
0x82: {  	_ =	shalt  }
0x83: {  	_ =	shalt  }
0x84: {  	_ =	shalt  }
0x85: {  	_ =	shalt  }
0x86: {  	_ =	shalt  }
0x87: {  	_ =	shalt  }
.Lfunc_end0:
.L_simem_size_0:
called_computation_lowered:
.L_overlay_start_0:
0x88: {  	s2 =	sld [smem:$0x3FD9]  }
0x89: {  	s3 =	sld [smem:$0x3FFE];
	_ =	sdelay $0x1  }
0x8a: {  	s1 =	srdreg.scid  }
0x8b: {  	s0 =	sand.u32 $0x1, s1  }
0x8c: {  	s17 =	sshll.u32 s0, $0xA;
	s2 =	sadd.s32 s3, s2  }
0x8d: {  	s2 =	sadd.s32 s2, s17  }
0x8e: {  	[smem:$0x3FBE] =	sst s2  }
0x8f: {  	_ = 	snop  }
0x90: {  	s2 =	sld [smem:$0x3FD0];
	(tm) =	ssettm $0x1  }
0x91: {  	s18 =	sld [smem:$0x3FFB];
	_ =	sdelay $0x3  }
0x92: {  	_ =	strace s18  }
0x93: {  	s3 =	sld [smem:$0x3FFC];
	_ =	sdelay $0x3  }
0x94: {  	_ =	strace s3  }
0x95: {  	s3 =	sld [smem:$0x3FFD];
	_ =	sdelay $0x3  }
0x96: {  	_ =	strace s3  }
0x97: {  	_ =	strace $0x8FFFFFFF  }
0x98: {  	s19 =	sld [smem:$0x3FDB];
	_ =	sdelay $0x1  }
0x99: {  	s4 =	simm.s32 $_scs_section_size  }
0x9a: {  	s5 =	simm.s32 $_size__tile_overlayer_lowered;
	s6 =	simm.s32 $_tile_overlayer_lowered  }
0x9b: {  	s22 =	simm.s32 $0x1BFF;
	s21 =	sshll.u32 s6, $0x1;
	s3 =	sadd.s32 s4, s19  }
0x9c: {  	s7 =	simm.s32 $0x0;
	s20 =	sshll.u32 s5, $0x1;
	s5 =	sadd.s32 s21, s3  }
0x9d: {  	[timem:s7], [sflag:s22] =	dma.local [hbm:s5], s20  }
0x9e: {  	_ =	swait.ge [sflag:s22], s20  }
0x9f: {  	s4 =	ssub.s32 $0x0, s20;
	[sflag:s22] =	ssyncset.done $0x0  }
0xa0: {  	[sflag:s22] =	ssyncadd.s32 s4;
	_ =	sdelay $0x1  }
0xa1: {  	s23 =	simm.s32 $0x1B8B  }
0xa2: {  	_ =	swait.ge [sflag:s23], $0x1  }
0xa3: {  	[sflag:s23] =	ssyncset.done $0x0  }
0xa4: {  	s25 =	simm.s32 $0x1B8E;
	s24 =	sld [smem:$0x3FFE];
	[sflag:s23] =	ssyncadd.s32 $0xFFFFFFFF  }
0xa5: {  	s26 =	simm.s32 $execute0_lowered;
	[smem:$0x3FD2] =	sst s25  }
0xa6: {  	s5 =	sshll.u32 s26, $0x1;
	_ =	strace $0x80000046;
	[dreg:$0x1] =	wrdreg $0xFFFFFFFF  }
0xa7: {  	s28 =	simm.s32 $_size_execute0_lowered;
	s3 =	sadd.s32 s3, s5;
	[dreg:$0x0] =	wrdreg $0x0  }
0xa8: {  	s5 =	sshll.u32 s28, $0x1;
	[dreg:$0x2] =	wrdreg s3  }
0xa9: {  	[dreg:$0x3] =	wrdreg s5  }
0xaa: {  	[dreg:$0x4] =	wrdreg $0xC0  }
0xab: {  	_ =	task [dreg:s7], $0x5FFFF  }
0xac: {  	[dreg:$0x1] =	wrdreg $0xFFFFFFFF  }
0xad: {  	[dreg:$0x0] =	wrdreg $0x60  }
0xae: {  	[dreg:$0x2] =	wrdreg s2  }
0xaf: {  	[dreg:$0x3] =	wrdreg s24  }
0xb0: {  	[dreg:$0x4] =	wrdreg $0x68000  }
0xb1: {  	[dreg:$0x5] =	wrdreg $0x9  }
0xb2: {  	_ =	task.clear_ibuf [dreg:s7], $0x6FFFF;
	_ =	strace $0x90000046  }
0xb3: {  	s29 =	simm.s32 $0x9;
	_ =	strace $0x80000048  }
0xb4: {  	_ =	swait.ge [sflag:s29], $0x1  }
0xb5: {  	[sflag:s29] =	ssyncadd.s32 $0xFFFFFFFF  }
0xb6: {  	_ =	strace $0x90000048  }
0xb7: {  	_ =	sfence  }
0xb8: {  	s30 =	sld [smem:$0x0];
	_ =	sdelay $0x2  }
0xb9: {  	s31 =	sshll.u32 s1, $0xD;
	s1 =	sshrl.u32 s1, $0x2  }
0xba: {  	s3 =	sand.u32 $0x4000, s31;
	s1 =	sadd.s32 s1, s30  }
0xbb: {  	s0 =	sor.u32 s3, s0;
	s1 =	sshll.u32 s1, $0x11  }
0xbc: {  	s0 =	sor.u32 s1, s0  }
0xbd: {  	s0 =	sadd.s32 $0x8F2B, s0  }
0xbe: {  	[sflag:s0] =	ssyncadd.remote.s32 $0x1  }
0xbf: {  	_ =	sfence.sel $0xFFFF  }
0xc0: {  	[dreg:$0x0] =	wrdreg $0xFFFFFFFF;
	(pc) =	sbr.abs _section_cstart, $3  }
0xc1: {  	[dreg:$0x1] =	wrdreg $0xFFFFFFFF  }
0xc2: {  	_ =	task.clear_ibuf [dreg:s7], $0x2FFFF;
	_ =	strace $0x9FFFFFFF  }
0xc3: {  	(tm) =	ssettm $0x7FFFFFFF  }
tec
execute0_lowered:
.L_overlay_start_1:
0x0: {  	(tag) =	ssettag $0x1  }
0x1: {  	s7 =	rddreg [dreg:$0x0]  }
0x2: {  	s6 =	rddreg [dreg:$0x1]  }
0x3: {  	s0 =	srdreg.scid;
	s2 =	rddreg [dreg:$0x2]  }
0x4: {  	s1 =	stileid.u32;
	s3 =	simm.s32 $0x0;
	s13 =	simm.s32 $0x80  }
0x5: {  	s14 =	simm.s32 $0x1;
	s8 =	sand.u32 $0x1, s0;
	s0 =	rddreg [dreg:$0x3]  }
0x6: {  	s15 =	simm.s32 $0x0;
	s5 =	smul.u32 $0x13C00, s1;
	[smem:$0x7FF] =	sst s3  }
0x7: {  	s11 =	smul.u32 $0x4F000, s1;
	s12 =	sshll.u32 s1, $0x1;
	s31 =	sshll.u32 s1, $0x6  }
0x8: {  	s4 =	smul.u32 $0x13C000, s8;
	_ =	strace $0x80000047;
	s10 =	ssub.s32 $0x2, s8  }
0x9: {  	s8 =	sor.u32 s8, s12;
	s12 =	simm.s32 $0x2800;
	s30 =	sshrl.u32 s10, $0x1  }
0xa: {  	s11 =	sshrl.u32 s11, $0x2;
	s8 =	smul.u32 $0x500, s8;
	s9 =	sadd.s32 s5, s4  }
0xb: {  	s4 =	sadd.s32 $0x3600, s6;
	s5 =	sadd.s32 $0x3E00, s6;
	s9 =	sshrl.u32 s9, $0x3  }
0xc: {  	s10 =	ssub.s32 s10, s30;
	s11 =	sadd.s32 s11, s2;
	s9 =	sadd.s32 s9, s6  }
0xd: {  	s7 =	sadd.s32 s7, s8;
	s6 =	sor.u32 $0x1C02, s31;
	s8 =	sadd.s32 $0x6600, s9  }
0xe: {  	s9 =	smax.u32 s10, $0x1;
	s10 =	sshrl.u32 s11, $0x3;
	s11 =	simm.s32 $0x2  }
.LBB2_1:
0xf: {  	[spmem:s10], [sflag:s6] =	dma.local [hbm:s5], $0x2780  }
0x10: {  	_ =	swait.ge [sflag:s11], $0x2780  }
0x11: {  	[sflag:s11] =	ssyncset.done $0x0  }
0x12: {  	[sflag:s11] =	ssyncadd.s32 $0xFFFFD880  }
0x13: {  	[tilespmem:s12], [sflag:$0x2] =	stream.linear.gather [hbm4b:s4+s3], $0x4000, $0x38;
	[tilespmem:$0x1A400] =	vst v63  }
0x14: {  	_ =	swait.ge [sflag:s11], $0x4000  }
0x15: {  	[sflag:s11] =	ssyncset.done $0x0  }
0x16: {  	[sflag:s11] =	ssyncadd.s32 $0xFFFFC000  }
0x17: {  	[tilespmem:s3], [sflag:$0x2] =	stream.linear.gather [hbm4b:s7+s3], $0x2800, $0x38;
	[tilespmem:$0x1A400] =	vst v63  }
0x18: {  	_ =	swait.ge [sflag:s11], $0x2800  }
0x19: {  	[sflag:s11] =	ssyncset.done $0x0  }
0x1a: {  	[sflag:s11] =	ssyncadd.s32 $0xFFFFD800  }
0x1b: {  	s16 =	simm.s32 $0x0;
	[bflag:$0x0] =	sbarrier.arrive $0xFFFF  }
0x1c: {  	[spmem:s2] =	stream.indirect.scatter.add.f32 [tilespmem:s12], [sflag:$0x1], $0x80, s16, s13, $0xb8;
	[tilespmem:$0x1A400] =	vst v63  }
0x1d: {  	s24 =	simm.s32 $0x80  }
0x1e: {  	[spmem:s2] =	stream.indirect.scatter.add.f32 [tilespmem:s12], [sflag:$0x1], $0x80, s24, s13, $0xb8;
	[tilespmem:$0x1A400] =	vst v63  }
0x1f: {  	s25 =	simm.s32 $0x100  }
0x20: {  	[spmem:s2] =	stream.indirect.scatter.add.f32 [tilespmem:s12], [sflag:$0x1], $0x80, s25, s13, $0xb8;
	[tilespmem:$0x1A400] =	vst v63  }
0x21: {  	s26 =	simm.s32 $0x180  }
0x22: {  	[spmem:s2] =	stream.indirect.scatter.add.f32 [tilespmem:s12], [sflag:$0x1], $0x80, s26, s13, $0xb8;
	[tilespmem:$0x1A400] =	vst v63  }
0x23: {  	s28 =	simm.s32 $0x200  }
0x24: {  	[spmem:s2] =	stream.indirect.scatter.add.f32 [tilespmem:s12], [sflag:$0x1], $0x80, s28, s13, $0xb8;
	[tilespmem:$0x1A400] =	vst v63  }
0x25: {  	s29 =	simm.s32 $0x280  }
0x26: {  	[spmem:s2] =	stream.indirect.scatter.add.f32 [tilespmem:s12], [sflag:$0x1], $0x80, s29, s13, $0xb8;
	[tilespmem:$0x1A400] =	vst v63  }
0x27: {  	s30 =	simm.s32 $0x300  }
0x28: {  	[spmem:s2] =	stream.indirect.scatter.add.f32 [tilespmem:s12], [sflag:$0x1], $0x80, s30, s13, $0xb8;
	[tilespmem:$0x1A400] =	vst v63  }
0x29: {  	s31 =	simm.s32 $0x380  }
0x2a: {  	[spmem:s2] =	stream.indirect.scatter.add.f32 [tilespmem:s12], [sflag:$0x1], $0x80, s31, s13, $0xb8;
	[tilespmem:$0x1A400] =	vst v63  }
0x2b: {  	_ =	swait.ge [sflag:s14], $0x4000  }
0x2c: {  	[sflag:s14] =	ssyncset.done $0x0  }
0x2d: {  	[sflag:s14] =	ssyncadd.s32 $0xFFFFC000  }
0x2e: {  	_ =	swait.ge [sflag:s14], $0x4000  }
0x2f: {  	[sflag:s14] =	ssyncset.done $0x0  }
0x30: {  	[sflag:s14] =	ssyncadd.s32 $0xFFFFC000  }
0x31: {  	_ =	swait.ge [sflag:s14], $0x4000  }
0x32: {  	[sflag:s14] =	ssyncset.done $0x0  }
0x33: {  	[sflag:s14] =	ssyncadd.s32 $0xFFFFC000  }
0x34: {  	_ =	swait.ge [sflag:s14], $0x4000  }
0x35: {  	[sflag:s14] =	ssyncset.done $0x0  }
0x36: {  	[sflag:s14] =	ssyncadd.s32 $0xFFFFC000  }
0x37: {  	_ =	swait.ge [sflag:s14], $0x4000  }
0x38: {  	[sflag:s14] =	ssyncset.done $0x0  }
0x39: {  	[sflag:s14] =	ssyncadd.s32 $0xFFFFC000  }
0x3a: {  	_ =	swait.ge [sflag:s14], $0x4000  }
0x3b: {  	[sflag:s14] =	ssyncset.done $0x0  }
0x3c: {  	[sflag:s14] =	ssyncadd.s32 $0xFFFFC000  }
0x3d: {  	_ =	swait.ge [sflag:s14], $0x4000  }
0x3e: {  	[sflag:s14] =	ssyncset.done $0x0  }
0x3f: {  	[sflag:s14] =	ssyncadd.s32 $0xFFFFC000  }
0x40: {  	_ =	swait.ge [sflag:s14], $0x4000  }
0x41: {  	s18 =	simm.s32 $0x2000;
	s16 =	simm.s32 $0x1000;
	[sflag:s14] =	ssyncset.done $0x0  }
.LBB2_2:
0x42: {  	s19 =	sshra.s32 s16, $0x2  }
0x43: {  	[sflag:s14] =	ssyncadd.s32 $0xFFFFC000;
	s16 =	smov.u32 s18;
	s17 =	sadd.s32 $0x1000, s18  }
0x44: {  	[spmem:s2] =	stream.indirect.scatter.add.f32 [tilespmem:s12], [sflag:$0x1], $0x80, s19, s13, $0xb8;
	[tilespmem:$0x1A400] =	vst v63  }
0x45: {  	p0 =	sne.s32 s18, $0x9000;
	s18 =	sadd.s32 $0x80, s19  }
0x46: {  	[spmem:s2] =	stream.indirect.scatter.add.f32 [tilespmem:s12], [sflag:$0x1], $0x80, s18, s13, $0xb8;
	[tilespmem:$0x1A400] =	vst v63  }
0x47: {  	s18 =	sadd.s32 $0x100, s19  }
0x48: {  	[spmem:s2] =	stream.indirect.scatter.add.f32 [tilespmem:s12], [sflag:$0x1], $0x80, s18, s13, $0xb8;
	[tilespmem:$0x1A400] =	vst v63  }
0x49: {  	s18 =	sadd.s32 $0x180, s19  }
0x4a: {  	[spmem:s2] =	stream.indirect.scatter.add.f32 [tilespmem:s12], [sflag:$0x1], $0x80, s18, s13, $0xb8;
	[tilespmem:$0x1A400] =	vst v63  }
0x4b: {  	s18 =	sadd.s32 $0x200, s19  }
0x4c: {  	[spmem:s2] =	stream.indirect.scatter.add.f32 [tilespmem:s12], [sflag:$0x1], $0x80, s18, s13, $0xb8;
	[tilespmem:$0x1A400] =	vst v63  }
0x4d: {  	s18 =	sadd.s32 $0x280, s19  }
0x4e: {  	[spmem:s2] =	stream.indirect.scatter.add.f32 [tilespmem:s12], [sflag:$0x1], $0x80, s18, s13, $0xb8;
	[tilespmem:$0x1A400] =	vst v63  }
0x4f: {  	s18 =	sadd.s32 $0x300, s19  }
0x50: {  	[spmem:s2] =	stream.indirect.scatter.add.f32 [tilespmem:s12], [sflag:$0x1], $0x80, s18, s13, $0xb8;
	[tilespmem:$0x1A400] =	vst v63  }
0x51: {  	s18 =	sadd.s32 $0x380, s19  }
0x52: {  	[spmem:s2] =	stream.indirect.scatter.add.f32 [tilespmem:s12], [sflag:$0x1], $0x80, s18, s13, $0xb8;
	[tilespmem:$0x1A400] =	vst v63  }
0x53: {  	_ =	swait.ge [sflag:s14], $0x4000  }
0x54: {  	[sflag:s14] =	ssyncset.done $0x0  }
0x55: {  	[sflag:s14] =	ssyncadd.s32 $0xFFFFC000  }
0x56: {  	_ =	swait.ge [sflag:s14], $0x4000  }
0x57: {  	[sflag:s14] =	ssyncset.done $0x0  }
0x58: {  	[sflag:s14] =	ssyncadd.s32 $0xFFFFC000  }
0x59: {  	_ =	swait.ge [sflag:s14], $0x4000  }
0x5a: {  	[sflag:s14] =	ssyncset.done $0x0  }
0x5b: {  	[sflag:s14] =	ssyncadd.s32 $0xFFFFC000  }
0x5c: {  	_ =	swait.ge [sflag:s14], $0x4000  }
0x5d: {  	[sflag:s14] =	ssyncset.done $0x0  }
0x5e: {  	[sflag:s14] =	ssyncadd.s32 $0xFFFFC000  }
0x5f: {  	_ =	swait.ge [sflag:s14], $0x4000  }
0x60: {  	[sflag:s14] =	ssyncset.done $0x0  }
0x61: {  	[sflag:s14] =	ssyncadd.s32 $0xFFFFC000  }
0x62: {  	_ =	swait.ge [sflag:s14], $0x4000  }
0x63: {  	[sflag:s14] =	ssyncset.done $0x0  }
0x64: {  	[sflag:s14] =	ssyncadd.s32 $0xFFFFC000  }
.Ltmp0:
0x65: {  	_ =	swait.ge [sflag:s14], $0x4000;
	(pc) =	sbr.rel @p0 .LBB2_2-.Ltmp0, $4  }
0x66: {  	[sflag:s14] =	ssyncset.done $0x0  }
0x67: {  	[sflag:s14] =	ssyncadd.s32 $0xFFFFC000  }
0x68: {  	_ =	swait.ge [sflag:s14], $0x4000  }
0x69: {  	s18 =	smov.u32 s17;
	[sflag:s14] =	ssyncset.done $0x0  }
0x6a: {  	s16 =	sshra.s32 s16, $0x2;
	[sflag:s14] =	ssyncadd.s32 $0xFFFFC000  }
0x6b: {  	[spmem:s2] =	stream.indirect.scatter.add.f32 [tilespmem:s12], [sflag:$0x1], $0x80, s16, s13, $0xb8;
	[tilespmem:$0x1A400] =	vst v63  }
0x6c: {  	s17 =	sadd.s32 $0x80, s16  }
0x6d: {  	[spmem:s2] =	stream.indirect.scatter.add.f32 [tilespmem:s12], [sflag:$0x1], $0x80, s17, s13, $0xb8;
	[tilespmem:$0x1A400] =	vst v63  }
0x6e: {  	s26 =	sadd.s32 $0x100, s16  }
0x6f: {  	[spmem:s2] =	stream.indirect.scatter.add.f32 [tilespmem:s12], [sflag:$0x1], $0x80, s26, s13, $0xb8;
	[tilespmem:$0x1A400] =	vst v63  }
0x70: {  	s28 =	sadd.s32 $0x180, s16  }
0x71: {  	[spmem:s2] =	stream.indirect.scatter.add.f32 [tilespmem:s12], [sflag:$0x1], $0x80, s28, s13, $0xb8;
	[tilespmem:$0x1A400] =	vst v63  }
0x72: {  	s29 =	sadd.s32 $0x200, s16  }
0x73: {  	[spmem:s2] =	stream.indirect.scatter.add.f32 [tilespmem:s12], [sflag:$0x1], $0x80, s29, s13, $0xb8;
	[tilespmem:$0x1A400] =	vst v63  }
0x74: {  	s30 =	sadd.s32 $0x280, s16  }
0x75: {  	[spmem:s2] =	stream.indirect.scatter.add.f32 [tilespmem:s12], [sflag:$0x1], $0x80, s30, s13, $0xb8;
	[tilespmem:$0x1A400] =	vst v63  }
0x76: {  	s31 =	sadd.s32 $0x300, s16  }
0x77: {  	[spmem:s2] =	stream.indirect.scatter.add.f32 [tilespmem:s12], [sflag:$0x1], $0x80, s31, s13, $0xb8;
	[tilespmem:$0x1A400] =	vst v63  }
0x78: {  	s16 =	sadd.s32 $0x380, s16  }
0x79: {  	[spmem:s2] =	stream.indirect.scatter.add.f32 [tilespmem:s12], [sflag:$0x1], $0x80, s16, s13, $0xb8;
	[tilespmem:$0x1A400] =	vst v63  }
0x7a: {  	_ =	swait.ge [sflag:s14], $0x4000  }
0x7b: {  	[sflag:s14] =	ssyncset.done $0x0  }
0x7c: {  	[sflag:s14] =	ssyncadd.s32 $0xFFFFC000  }
0x7d: {  	_ =	swait.ge [sflag:s14], $0x4000  }
0x7e: {  	[sflag:s14] =	ssyncset.done $0x0  }
0x7f: {  	[sflag:s14] =	ssyncadd.s32 $0xFFFFC000  }
0x80: {  	_ =	swait.ge [sflag:s14], $0x4000  }
0x81: {  	[sflag:s14] =	ssyncset.done $0x0  }
0x82: {  	[sflag:s14] =	ssyncadd.s32 $0xFFFFC000  }
0x83: {  	_ =	swait.ge [sflag:s14], $0x4000  }
0x84: {  	[sflag:s14] =	ssyncset.done $0x0  }
0x85: {  	[sflag:s14] =	ssyncadd.s32 $0xFFFFC000  }
0x86: {  	_ =	swait.ge [sflag:s14], $0x4000  }
0x87: {  	[sflag:s14] =	ssyncset.done $0x0  }
0x88: {  	[sflag:s14] =	ssyncadd.s32 $0xFFFFC000  }
0x89: {  	_ =	swait.ge [sflag:s14], $0x4000  }
0x8a: {  	[sflag:s14] =	ssyncset.done $0x0  }
0x8b: {  	[sflag:s14] =	ssyncadd.s32 $0xFFFFC000  }
0x8c: {  	_ =	swait.ge [sflag:s14], $0x4000  }
0x8d: {  	[sflag:s14] =	ssyncset.done $0x0  }
0x8e: {  	[sflag:s14] =	ssyncadd.s32 $0xFFFFC000  }
0x8f: {  	_ =	swait.ge [sflag:s14], $0x4000  }
0x90: {  	s15 =	sadd.s32 $0x1, s15;
	[sflag:s14] =	ssyncset.done $0x0  }
0x91: {  	p0 =	sne.s32 s15, s9;
	[sflag:s14] =	ssyncadd.s32 $0xFFFFC000  }
.Ltmp1:
0x92: {  	[bflag:$0x0] =	sbarrier.arrive $0xFFFF;
	(pc) =	sbr.rel @p0 .LBB2_1-.Ltmp1, $4  }
0x93: {  	[hbm:s8], [sflag:s6] =	dma.local [spmem:s10], $0x2780  }
0x94: {  	_ =	swait.ge [sflag:s11], $0x2780  }
0x95: {  	[sflag:s11] =	ssyncset.done $0x0  }
0x96: {  	[sflag:s11] =	ssyncadd.s32 $0xFFFFD880  }
0x97: {  	_ =	sfence.sel $0x180000  }
0x98: {  	[bflag:$0x0] =	sbarrier.arrive $0xFFFF  }
0x99: {  	p0 =	sne.s32 s1, $0x0;
	_ =	strace $0x90000047  }
0x9a: {  	s0 =	sadd.s32 @!p0 $0x100000, s0;
	[bflag:$0x2] =	sbarrier.arrive $0xFFFF  }
0x9b: {  	[sflag:s0] =	ssyncadd.tile.s32 @!p0 $0x1;
	_ =	shalt  }
.Lfunc_end2:
_tile_overlayer_lowered:
.L_overlay_start_2:
0x9c: {  	(tag) =	ssettag $0x2  }
0x9d: {  	s0 =	rddreg [dreg:$0x0];
	s2 =	stileid.u32  }
0x9e: {  	s1 =	rddreg [dreg:$0x1];
	p0 =	sne.s32 s2, $0x0  }
0x9f: {  	s3 =	rddreg [dreg:$0x2];
	[bflag:$0x3] =	sbarrier.arrive $0xFFFF;
	s2 =	simm.s32 @!p0 $0x1C02  }
0xa0: {  	[timem:s3], [sflag:s2] =	dma.local @!p0 [hbm:s0], s1  }
0xa1: {  	s0 =	simm.s32 @!p0 $0x2  }
0xa2: {  	_ =	swait.ge @!p0 [sflag:s0], s1  }
0xa3: {  	s1 =	ssub.s32 @!p0 $0x0, s1;
	[sflag:s0] =	ssyncset.done @!p0 $0x0  }
0xa4: {  	[sflag:s0] =	ssyncadd.s32 @!p0 s1  }
0xa5: {  	[bflag:$0x3] =	sbarrier.arrive $0xFFFF  }
0xa6: {  	_ =	shalt  }

</sc_bundles>
